<compile_context>
chip_gen: v7x
topology: tpu7x:2x2x1
jax: 0.10.2.dev20260603
libtpu: 0.0.44.dev20260713+nightly
codegen_flags: <defaults>
</compile_context>

<pallas_src>
import functools

import jax
import jax.numpy as jnp
from jax import lax
from jax.experimental import pallas as pl
from jax.experimental.pallas import tpu as pltpu
from jax.experimental.pallas import tpu_sc as plsc

_L = 16
_NC = 2
_NS = 16
_NW = _NC * _NS
_G = 2


def _nn_body(n, qpw, x1_hbm, x2_hbm, minsq_hbm, arg_hbm,
             kx_v, ky_v, kz_v, qx_v, qy_v, qz_v, om_v, oa_v):
    tiles_per_b = n // qpw
    nchunks = n // _L
    wid = lax.axis_index("s") * _NC + lax.axis_index("c")
    b = wid // tiles_per_b
    qbase = (wid % tiles_per_b) * qpw

    kofs = b * (3 * n)
    qofs = kofs + qbase
    pltpu.sync_copy(x2_hbm.at[pl.ds(kofs, n)], kx_v)
    pltpu.sync_copy(x2_hbm.at[pl.ds(kofs + n, n)], ky_v)
    pltpu.sync_copy(x2_hbm.at[pl.ds(kofs + 2 * n, n)], kz_v)
    pltpu.sync_copy(x1_hbm.at[pl.ds(qofs, qpw)], qx_v)
    pltpu.sync_copy(x1_hbm.at[pl.ds(qofs + n, qpw)], qy_v)
    pltpu.sync_copy(x1_hbm.at[pl.ds(qofs + 2 * n, qpw)], qz_v)

    def block(blk, _):
        qb = blk * (_L * _G)
        qx = [qx_v[pl.ds(qb + i * _L, _L)] for i in range(_G)]
        qy = [qy_v[pl.ds(qb + i * _L, _L)] for i in range(_G)]
        qz = [qz_v[pl.ds(qb + i * _L, _L)] for i in range(_G)]

        def scan_chunk(c, carry):
            run_min, carg, cuarg = carry
            base = c * _L
            kxc = kx_v[pl.ds(base, _L)]
            kyc = ky_v[pl.ds(base, _L)]
            kzc = kz_v[pl.ds(base, _L)]
            cm = [None] * _G
            cpos = [None] * _G
            for u in range(_L):
                sel = jnp.full((_L,), u, jnp.int32)
                kxu = kxc.at[sel].get(mode="promise_in_bounds")
                kyu = kyc.at[sel].get(mode="promise_in_bounds")
                kzu = kzc.at[sel].get(mode="promise_in_bounds")
                uvec = jnp.full((_L,), u, jnp.int32)
                for i in range(_G):
                    dx = qx[i] - kxu
                    dy = qy[i] - kyu
                    dz = qz[i] - kzu
                    d2 = dx * dx + dy * dy + dz * dz
                    if cm[i] is None:
                        cm[i] = d2
                        cpos[i] = uvec
                    else:
                        upd = d2 < cm[i]
                        cm[i] = jnp.minimum(cm[i], d2)
                        cpos[i] = jnp.where(upd, uvec, cpos[i])
            cvec = jnp.full((_L,), c, jnp.int32)
            new_min, new_carg, new_cuarg = [], [], []
            for i in range(_G):
                upd = cm[i] < run_min[i]
                new_min.append(jnp.minimum(run_min[i], cm[i]))
                new_carg.append(jnp.where(upd, cvec, carg[i]))
                new_cuarg.append(jnp.where(upd, cpos[i], cuarg[i]))
            return tuple(new_min), tuple(new_carg), tuple(new_cuarg)

        init = (tuple(jnp.full((_L,), jnp.inf, jnp.float32)
                      for _i in range(_G)),
                tuple(jnp.zeros((_L,), jnp.int32) for _i in range(_G)),
                tuple(jnp.zeros((_L,), jnp.int32) for _i in range(_G)))

        run_min, carg, cuarg = plsc.parallel_loop(
            0, nchunks, carry=init, unroll=2)(scan_chunk)

        for i in range(_G):
            om_v[pl.ds(qb + i * _L, _L)] = run_min[i]
            oa_v[pl.ds(qb + i * _L, _L)] = carg[i] * _L + cuarg[i]
        return _

    lax.fori_loop(0, qpw // (_L * _G), block, 0)

    obase = b * n + qbase
    pltpu.sync_copy(om_v, minsq_hbm.at[pl.ds(obase, qpw)])
    pltpu.sync_copy(oa_v, arg_hbm.at[pl.ds(obase, qpw)])


@functools.partial(jax.jit, static_argnums=(2, 3))
def _nn_sc(x1t, x2t, B, n):
    qpw = (B * n) // _NW
    mesh = plsc.VectorSubcoreMesh(core_axis_name="c", subcore_axis_name="s")
    body = functools.partial(_nn_body, n, qpw)
    ker = pl.kernel(
        body,
        out_type=[jax.ShapeDtypeStruct((B * n,), jnp.float32),
                  jax.ShapeDtypeStruct((B * n,), jnp.int32)],
        mesh=mesh,
        scratch_types=[
            pltpu.VMEM((n,), jnp.float32),
            pltpu.VMEM((n,), jnp.float32),
            pltpu.VMEM((n,), jnp.float32),
            pltpu.VMEM((qpw,), jnp.float32),
            pltpu.VMEM((qpw,), jnp.float32),
            pltpu.VMEM((qpw,), jnp.float32),
            pltpu.VMEM((qpw,), jnp.float32),
            pltpu.VMEM((qpw,), jnp.int32),
        ],
    )
    minsq, arg = ker(x1t, x2t)
    return minsq.reshape(B, n), arg.reshape(B, n)


def kernel(input1, input2, eps, iters):
    B, n, _ = input1.shape
    x1t = jnp.transpose(input1, (0, 2, 1)).reshape(-1)
    x2t = jnp.transpose(input2, (0, 2, 1)).reshape(-1)
    minsq, arg = _nn_sc(x1t, x2t, B, n)

    m = jnp.sqrt(minsq)

    def body(_, carry):
        price, _mc = carry
        mc = m - price
        return price + eps * mc, mc

    _price, mc = lax.fori_loop(
        0, iters, body, (jnp.zeros_like(m), jnp.zeros_like(m)))
    arg = jnp.where(iters >= 1, arg, jnp.zeros_like(arg))
    return jnp.sqrt(mc), arg

# --- scband reference (transcript-rebuilt; emitter-appended) ---
"""Pipeline reference for scband-emd-module-61641370632797 (READ-ONLY COPY).

The authoritative reference and input builder live on the scoring server;
editing this copy changes nothing except your own understanding.
"""

import jax, jax.numpy as jnp
import numpy as np


def setup_inputs(seed: int = 0) -> dict:
    key = jax.random.key(seed)
    k1, k2, k3 = jax.random.split(key, 3)
    B, n, d = 4, 2048, 3
    return {
        "input1": jax.random.normal(k1, (B, n, d), dtype=jnp.float32),
        "input2": jax.random.normal(k2, (B, n, d), dtype=jnp.float32),
        "eps": jax.random.uniform(k3, (), dtype=jnp.float32),
        "iters": 2,
    }


def reference(input1, input2, eps, iters):
    # cost[b, i, j] = ||xyz1[b, i] - xyz2[b, j]||_2 ; it does not depend on price or the
    # iteration, so compute it once (identical math to recomputing each iter).
    diff = input1[:, :, None, :] - input2[:, None, :, :]
    cost = jnp.sqrt(jnp.sum(diff * diff, axis=-1))
    B, n = input1.shape[0], input1.shape[1]
    price = jnp.zeros((B, n), dtype=jnp.float32)

    def body(_, carry):
        price, _min_cost, _assignment = carry
        cost_adjusted = cost - price[:, :, None]  # price.unsqueeze(2) in torch
        min_cost = jnp.min(cost_adjusted, axis=2)
        assignment = jnp.argmin(cost_adjusted, axis=2).astype(jnp.int32)
        price = price + eps * min_cost
        return (price, min_cost, assignment)

    init = (
        price,
        jnp.zeros((B, n), dtype=jnp.float32),
        jnp.zeros((B, n), dtype=jnp.int32),
    )
    price, min_cost, assignment = jax.lax.fori_loop(0, iters, body, init)
    return jnp.sqrt(min_cost), assignment

if __name__ == "__main__":
    import jax
    _d = setup_inputs()
    print(jax.jit(kernel)(*tuple(_d.values())))

</pallas_src>

<mosaic_0001>
#map = affine_map<(d0, d1) -> (0)>
module attributes {stable_mosaic.version = 14 : i64} {
  func.func @_nn_body(%arg0: i32, %arg1: i32, %arg2: memref<24576xf32, #tpu.memory_space<hbm>>, %arg3: memref<24576xf32, #tpu.memory_space<hbm>>, %arg4: memref<8192xf32, #tpu.memory_space<hbm>>, %arg5: memref<8192xi32, #tpu.memory_space<hbm>>, %arg6: memref<2048xf32, #tpu.memory_space<vmem>>, %arg7: memref<2048xf32, #tpu.memory_space<vmem>>, %arg8: memref<2048xf32, #tpu.memory_space<vmem>>, %arg9: memref<256xf32, #tpu.memory_space<vmem>>, %arg10: memref<256xf32, #tpu.memory_space<vmem>>, %arg11: memref<256xf32, #tpu.memory_space<vmem>>, %arg12: memref<256xf32, #tpu.memory_space<vmem>>, %arg13: memref<256xi32, #tpu.memory_space<vmem>>) attributes {dimension_semantics = [#tpu.dimension_semantics<core_parallel>, #tpu.dimension_semantics<subcore_parallel>], iteration_bounds = array<i64: 2, 16>, scalar_prefetch = 0 : i64, scratch_operands = 8 : i64, tpu.core_type = #tpu.core_type<sc_vector_subcore>, window_params = [{transform_indices = #map}, {transform_indices = #map}, {transform_indices = #map}, {transform_indices = #map}]} {
    %mul3A = arith.constant 2 : i32
    %mul3A_0 = arith.muli %arg1, %mul3A : i32
    %add3A = arith.addi %mul3A_0, %arg0 : i32
    %jit3A = arith.constant 8 : i32
    %div3A = arith.divsi %add3A, %jit3A : i32
    %sign3A = arith.constant 0 : i32
    %sign3A_1 = arith.cmpi sgt, %add3A, %sign3A : i32
    %sign3A_2 = arith.extui %sign3A_1 : i1 to i32
    %sign3A_3 = arith.constant 0 : i32
    %sign3A_4 = arith.cmpi slt, %add3A, %sign3A_3 : i32
    %sign3A_5 = arith.extui %sign3A_4 : i1 to i32
    %sign3A_6 = arith.subi %sign3A_2, %sign3A_5 : i32
    %sign3A_7 = arith.constant 0 : i32
    %sign3A_8 = arith.cmpi sgt, %jit3A, %sign3A_7 : i32
    %sign3A_9 = arith.extui %sign3A_8 : i1 to i32
    %sign3A_10 = arith.constant 0 : i32
    %sign3A_11 = arith.cmpi slt, %jit3A, %sign3A_10 : i32
    %sign3A_12 = arith.extui %sign3A_11 : i1 to i32
    %sign3A_13 = arith.subi %sign3A_9, %sign3A_12 : i32
    %ne3A = arith.cmpi ne, %sign3A_6, %sign3A_13 : i32
    %rem3A = arith.remsi %add3A, %jit3A : i32
    %ne3A_14 = arith.constant 0 : i32
    %ne3A_15 = arith.cmpi ne, %rem3A, %ne3A_14 : i32
    %and3A = arith.andi %ne3A, %ne3A_15 : i1
    %sub3A = arith.constant 1 : i32
    %sub3A_16 = arith.subi %div3A, %sub3A : i32
    %select_n3A = arith.select %and3A, %sub3A_16, %div3A : i32
    %jit3A_17 = arith.constant 8 : i32
    %eq3A = arith.constant 0 : i32
    %eq3A_18 = arith.cmpi eq, %jit3A_17, %eq3A : i32
    %jit3A_19 = arith.constant 1 : i32
    %select_n3A_20 = arith.select %eq3A_18, %jit3A_19, %jit3A_17 : i32
    %rem3A_21 = arith.remsi %add3A, %select_n3A_20 : i32
    %ne3A_22 = arith.constant 0 : i32
    %ne3A_23 = arith.cmpi ne, %rem3A_21, %ne3A_22 : i32
    %lt3A = arith.constant 0 : i32
    %lt3A_24 = arith.cmpi slt, %rem3A_21, %lt3A : i32
    %lt3A_25 = arith.constant 0 : i32
    %lt3A_26 = arith.cmpi slt, %select_n3A_20, %lt3A_25 : i32
    %ne3A_27 = arith.xori %lt3A_24, %lt3A_26 : i1
    %and3A_28 = arith.andi %ne3A_27, %ne3A_23 : i1
    %add3A_29 = arith.addi %rem3A_21, %select_n3A_20 : i32
    %select_n3A_30 = arith.select %and3A_28, %add3A_29, %rem3A_21 : i32
    %mul3A_31 = arith.constant 256 : i32
    %mul3A_32 = arith.muli %select_n3A_30, %mul3A_31 : i32
    %mul3A_33 = arith.constant 6144 : i32
    %mul3A_34 = arith.muli %select_n3A, %mul3A_33 : i32
    %add3A_35 = arith.addi %mul3A_34, %mul3A_32 : i32
    "tpu.region"() ({
      %run_scoped3A = tpu.sem_alloc : memref<!tpu.dma_semaphore, #tpu.memory_space<semaphore_mem>>
      %dma_start3A = tpu.memref_slice %arg3[%mul3A_34] : memref<24576xf32, #tpu.memory_space<hbm>> -> memref<2048xf32, #tpu.memory_space<hbm>>
      %dma_start3A_52 = tpu.memref_slice %arg3[%mul3A_34] : memref<24576xf32, #tpu.memory_space<hbm>> -> memref<2048xf32, #tpu.memory_space<hbm>>
      tpu.enqueue_dma source(%dma_start3A_52 : memref<2048xf32, #tpu.memory_space<hbm>>) target(%arg6 : memref<2048xf32, #tpu.memory_space<vmem>>) target_semaphore(%run_scoped3A : memref<!tpu.dma_semaphore, #tpu.memory_space<semaphore_mem>>)
      %dma_wait3A = tpu.memref_slice %arg3[%mul3A_34] : memref<24576xf32, #tpu.memory_space<hbm>> -> memref<2048xf32, #tpu.memory_space<hbm>>
      %dma_wait3A_53 = tpu.memref_slice %arg3[%mul3A_34] : memref<24576xf32, #tpu.memory_space<hbm>> -> memref<2048xf32, #tpu.memory_space<hbm>>
      tpu.wait_dma2 semaphore(%run_scoped3A : memref<!tpu.dma_semaphore, #tpu.memory_space<semaphore_mem>>) src(%dma_wait3A_53 : memref<2048xf32, #tpu.memory_space<hbm>>) dst(%arg6 : memref<2048xf32, #tpu.memory_space<vmem>>)
      tpu.yield
    }) : () -> ()
    %add3A_36 = arith.constant 2048 : i32
    %add3A_37 = arith.addi %mul3A_34, %add3A_36 : i32
    "tpu.region"() ({
      %run_scoped3A = tpu.sem_alloc : memref<!tpu.dma_semaphore, #tpu.memory_space<semaphore_mem>>
      %dma_start3A = tpu.memref_slice %arg3[%add3A_37] : memref<24576xf32, #tpu.memory_space<hbm>> -> memref<2048xf32, #tpu.memory_space<hbm>>
      %dma_start3A_52 = tpu.memref_slice %arg3[%add3A_37] : memref<24576xf32, #tpu.memory_space<hbm>> -> memref<2048xf32, #tpu.memory_space<hbm>>
      tpu.enqueue_dma source(%dma_start3A_52 : memref<2048xf32, #tpu.memory_space<hbm>>) target(%arg7 : memref<2048xf32, #tpu.memory_space<vmem>>) target_semaphore(%run_scoped3A : memref<!tpu.dma_semaphore, #tpu.memory_space<semaphore_mem>>)
      %dma_wait3A = tpu.memref_slice %arg3[%add3A_37] : memref<24576xf32, #tpu.memory_space<hbm>> -> memref<2048xf32, #tpu.memory_space<hbm>>
      %dma_wait3A_53 = tpu.memref_slice %arg3[%add3A_37] : memref<24576xf32, #tpu.memory_space<hbm>> -> memref<2048xf32, #tpu.memory_space<hbm>>
      tpu.wait_dma2 semaphore(%run_scoped3A : memref<!tpu.dma_semaphore, #tpu.memory_space<semaphore_mem>>) src(%dma_wait3A_53 : memref<2048xf32, #tpu.memory_space<hbm>>) dst(%arg7 : memref<2048xf32, #tpu.memory_space<vmem>>)
      tpu.yield
    }) : () -> ()
    %add3A_38 = arith.constant 4096 : i32
    %add3A_39 = arith.addi %mul3A_34, %add3A_38 : i32
    "tpu.region"() ({
      %run_scoped3A = tpu.sem_alloc : memref<!tpu.dma_semaphore, #tpu.memory_space<semaphore_mem>>
      %dma_start3A = tpu.memref_slice %arg3[%add3A_39] : memref<24576xf32, #tpu.memory_space<hbm>> -> memref<2048xf32, #tpu.memory_space<hbm>>
      %dma_start3A_52 = tpu.memref_slice %arg3[%add3A_39] : memref<24576xf32, #tpu.memory_space<hbm>> -> memref<2048xf32, #tpu.memory_space<hbm>>
      tpu.enqueue_dma source(%dma_start3A_52 : memref<2048xf32, #tpu.memory_space<hbm>>) target(%arg8 : memref<2048xf32, #tpu.memory_space<vmem>>) target_semaphore(%run_scoped3A : memref<!tpu.dma_semaphore, #tpu.memory_space<semaphore_mem>>)
      %dma_wait3A = tpu.memref_slice %arg3[%add3A_39] : memref<24576xf32, #tpu.memory_space<hbm>> -> memref<2048xf32, #tpu.memory_space<hbm>>
      %dma_wait3A_53 = tpu.memref_slice %arg3[%add3A_39] : memref<24576xf32, #tpu.memory_space<hbm>> -> memref<2048xf32, #tpu.memory_space<hbm>>
      tpu.wait_dma2 semaphore(%run_scoped3A : memref<!tpu.dma_semaphore, #tpu.memory_space<semaphore_mem>>) src(%dma_wait3A_53 : memref<2048xf32, #tpu.memory_space<hbm>>) dst(%arg8 : memref<2048xf32, #tpu.memory_space<vmem>>)
      tpu.yield
    }) : () -> ()
    "tpu.region"() ({
      %run_scoped3A = tpu.sem_alloc : memref<!tpu.dma_semaphore, #tpu.memory_space<semaphore_mem>>
      %dma_start3A = tpu.memref_slice %arg2[%add3A_35] : memref<24576xf32, #tpu.memory_space<hbm>> -> memref<256xf32, #tpu.memory_space<hbm>>
      %dma_start3A_52 = tpu.memref_slice %arg2[%add3A_35] : memref<24576xf32, #tpu.memory_space<hbm>> -> memref<256xf32, #tpu.memory_space<hbm>>
      tpu.enqueue_dma source(%dma_start3A_52 : memref<256xf32, #tpu.memory_space<hbm>>) target(%arg9 : memref<256xf32, #tpu.memory_space<vmem>>) target_semaphore(%run_scoped3A : memref<!tpu.dma_semaphore, #tpu.memory_space<semaphore_mem>>)
      %dma_wait3A = tpu.memref_slice %arg2[%add3A_35] : memref<24576xf32, #tpu.memory_space<hbm>> -> memref<256xf32, #tpu.memory_space<hbm>>
      %dma_wait3A_53 = tpu.memref_slice %arg2[%add3A_35] : memref<24576xf32, #tpu.memory_space<hbm>> -> memref<256xf32, #tpu.memory_space<hbm>>
      tpu.wait_dma2 semaphore(%run_scoped3A : memref<!tpu.dma_semaphore, #tpu.memory_space<semaphore_mem>>) src(%dma_wait3A_53 : memref<256xf32, #tpu.memory_space<hbm>>) dst(%arg9 : memref<256xf32, #tpu.memory_space<vmem>>)
      tpu.yield
    }) : () -> ()
    %add3A_40 = arith.constant 2048 : i32
    %add3A_41 = arith.addi %add3A_35, %add3A_40 : i32
    "tpu.region"() ({
      %run_scoped3A = tpu.sem_alloc : memref<!tpu.dma_semaphore, #tpu.memory_space<semaphore_mem>>
      %dma_start3A = tpu.memref_slice %arg2[%add3A_41] : memref<24576xf32, #tpu.memory_space<hbm>> -> memref<256xf32, #tpu.memory_space<hbm>>
      %dma_start3A_52 = tpu.memref_slice %arg2[%add3A_41] : memref<24576xf32, #tpu.memory_space<hbm>> -> memref<256xf32, #tpu.memory_space<hbm>>
      tpu.enqueue_dma source(%dma_start3A_52 : memref<256xf32, #tpu.memory_space<hbm>>) target(%arg10 : memref<256xf32, #tpu.memory_space<vmem>>) target_semaphore(%run_scoped3A : memref<!tpu.dma_semaphore, #tpu.memory_space<semaphore_mem>>)
      %dma_wait3A = tpu.memref_slice %arg2[%add3A_41] : memref<24576xf32, #tpu.memory_space<hbm>> -> memref<256xf32, #tpu.memory_space<hbm>>
      %dma_wait3A_53 = tpu.memref_slice %arg2[%add3A_41] : memref<24576xf32, #tpu.memory_space<hbm>> -> memref<256xf32, #tpu.memory_space<hbm>>
      tpu.wait_dma2 semaphore(%run_scoped3A : memref<!tpu.dma_semaphore, #tpu.memory_space<semaphore_mem>>) src(%dma_wait3A_53 : memref<256xf32, #tpu.memory_space<hbm>>) dst(%arg10 : memref<256xf32, #tpu.memory_space<vmem>>)
      tpu.yield
    }) : () -> ()
    %add3A_42 = arith.constant 4096 : i32
    %add3A_43 = arith.addi %add3A_35, %add3A_42 : i32
    "tpu.region"() ({
      %run_scoped3A = tpu.sem_alloc : memref<!tpu.dma_semaphore, #tpu.memory_space<semaphore_mem>>
      %dma_start3A = tpu.memref_slice %arg2[%add3A_43] : memref<24576xf32, #tpu.memory_space<hbm>> -> memref<256xf32, #tpu.memory_space<hbm>>
      %dma_start3A_52 = tpu.memref_slice %arg2[%add3A_43] : memref<24576xf32, #tpu.memory_space<hbm>> -> memref<256xf32, #tpu.memory_space<hbm>>
      tpu.enqueue_dma source(%dma_start3A_52 : memref<256xf32, #tpu.memory_space<hbm>>) target(%arg11 : memref<256xf32, #tpu.memory_space<vmem>>) target_semaphore(%run_scoped3A : memref<!tpu.dma_semaphore, #tpu.memory_space<semaphore_mem>>)
      %dma_wait3A = tpu.memref_slice %arg2[%add3A_43] : memref<24576xf32, #tpu.memory_space<hbm>> -> memref<256xf32, #tpu.memory_space<hbm>>
      %dma_wait3A_53 = tpu.memref_slice %arg2[%add3A_43] : memref<24576xf32, #tpu.memory_space<hbm>> -> memref<256xf32, #tpu.memory_space<hbm>>
      tpu.wait_dma2 semaphore(%run_scoped3A : memref<!tpu.dma_semaphore, #tpu.memory_space<semaphore_mem>>) src(%dma_wait3A_53 : memref<256xf32, #tpu.memory_space<hbm>>) dst(%arg11 : memref<256xf32, #tpu.memory_space<vmem>>)
      tpu.yield
    }) : () -> ()
    %scan3A = arith.constant 0 : i32
    %scan3A_44 = arith.constant 0 : i32
    %scan3A_45 = arith.constant 8 : i32
    %scan3A_46 = arith.addi %scan3A_44, %scan3A_45 : i32
    %scan3A_47 = arith.constant 1 : i32
    scf.for %scan3A_52 = %scan3A_44 to %scan3A_46 step %scan3A_47  : i32 {
      %mul3A_53 = arith.constant 32 : i32
      %mul3A_54 = arith.muli %scan3A_52, %mul3A_53 : i32
      %add3A_55 = arith.constant 0 : i32
      %add3A_56 = arith.addi %mul3A_54, %add3A_55 : i32
      %get3A = arith.index_cast %add3A_56 : i32 to index
      %get3A_57 = tpu.vector_load %arg9[%get3A] {strides = array<i32>} : memref<256xf32, #tpu.memory_space<vmem>>, vector<16xf32>,
      %get3A_58 = vector.shape_cast %get3A_57 : vector<16xf32> to vector<16xf32>
      %add3A_59 = arith.constant 16 : i32
      %add3A_60 = arith.addi %mul3A_54, %add3A_59 : i32
      %get3A_61 = arith.index_cast %add3A_60 : i32 to index
      %get3A_62 = tpu.vector_load %arg9[%get3A_61] {strides = array<i32>} : memref<256xf32, #tpu.memory_space<vmem>>, vector<16xf32>,
      %get3A_63 = vector.shape_cast %get3A_62 : vector<16xf32> to vector<16xf32>
      %add3A_64 = arith.constant 0 : i32
      %add3A_65 = arith.addi %mul3A_54, %add3A_64 : i32
      %get3A_66 = arith.index_cast %add3A_65 : i32 to index
      %get3A_67 = tpu.vector_load %arg10[%get3A_66] {strides = array<i32>} : memref<256xf32, #tpu.memory_space<vmem>>, vector<16xf32>,
      %get3A_68 = vector.shape_cast %get3A_67 : vector<16xf32> to vector<16xf32>
      %add3A_69 = arith.constant 16 : i32
      %add3A_70 = arith.addi %mul3A_54, %add3A_69 : i32
      %get3A_71 = arith.index_cast %add3A_70 : i32 to index
      %get3A_72 = tpu.vector_load %arg10[%get3A_71] {strides = array<i32>} : memref<256xf32, #tpu.memory_space<vmem>>, vector<16xf32>,
      %get3A_73 = vector.shape_cast %get3A_72 : vector<16xf32> to vector<16xf32>
      %add3A_74 = arith.constant 0 : i32
      %add3A_75 = arith.addi %mul3A_54, %add3A_74 : i32
      %get3A_76 = arith.index_cast %add3A_75 : i32 to index
      %get3A_77 = tpu.vector_load %arg11[%get3A_76] {strides = array<i32>} : memref<256xf32, #tpu.memory_space<vmem>>, vector<16xf32>,
      %get3A_78 = vector.shape_cast %get3A_77 : vector<16xf32> to vector<16xf32>
      %add3A_79 = arith.constant 16 : i32
      %add3A_80 = arith.addi %mul3A_54, %add3A_79 : i32
      %get3A_81 = arith.index_cast %add3A_80 : i32 to index
      %get3A_82 = tpu.vector_load %arg11[%get3A_81] {strides = array<i32>} : memref<256xf32, #tpu.memory_space<vmem>>, vector<16xf32>,
      %get3A_83 = vector.shape_cast %get3A_82 : vector<16xf32> to vector<16xf32>
      %broadcast_in_dim3A = arith.constant 0x7F800000 : f32
      %broadcast_in_dim3A_84 = vector.broadcast %broadcast_in_dim3A : f32 to vector<16xf32>
      %broadcast_in_dim3A_85 = arith.constant 0x7F800000 : f32
      %broadcast_in_dim3A_86 = vector.broadcast %broadcast_in_dim3A_85 : f32 to vector<16xf32>
      %broadcast_in_dim3A_87 = arith.constant 0 : i32
      %broadcast_in_dim3A_88 = vector.broadcast %broadcast_in_dim3A_87 : i32 to vector<16xi32>
      %broadcast_in_dim3A_89 = arith.constant 0 : i32
      %broadcast_in_dim3A_90 = vector.broadcast %broadcast_in_dim3A_89 : i32 to vector<16xi32>
      %broadcast_in_dim3A_91 = arith.constant 0 : i32
      %broadcast_in_dim3A_92 = vector.broadcast %broadcast_in_dim3A_91 : i32 to vector<16xi32>
      %broadcast_in_dim3A_93 = arith.constant 0 : i32
      %broadcast_in_dim3A_94 = vector.broadcast %broadcast_in_dim3A_93 : i32 to vector<16xi32>
      %parallel_loop3A = arith.constant 0 : i32
      %parallel_loop3A_95 = arith.constant 128 : i32
      %parallel_loop3A_96 = arith.constant 1 : i32
      %parallel_loop3A_97:6 = scf.for %parallel_loop3A_129 = %parallel_loop3A to %parallel_loop3A_95 step %parallel_loop3A_96 iter_args(%parallel_loop3A_130 = %broadcast_in_dim3A_84, %parallel_loop3A_131 = %broadcast_in_dim3A_86, %parallel_loop3A_132 = %broadcast_in_dim3A_88, %parallel_loop3A_133 = %broadcast_in_dim3A_90, %parallel_loop3A_134 = %broadcast_in_dim3A_92, %parallel_loop3A_135 = %broadcast_in_dim3A_94) -> (vector<16xf32>, vector<16xf32>, vector<16xi32>, vector<16xi32>, vector<16xi32>, vector<16xi32>)  : i32 {
        %parallel_loop3A_136 = arith.constant 16 : i32
        %parallel_loop3A_137 = arith.muli %parallel_loop3A_129, %parallel_loop3A_136 : i32
        %parallel_loop3A_138 = arith.index_cast %parallel_loop3A_137 : i32 to index
        %parallel_loop3A_139 = tpu.vector_load %arg6[%parallel_loop3A_138] {strides = array<i32>} : memref<2048xf32, #tpu.memory_space<vmem>>, vector<16xf32>,
        %parallel_loop3A_140 = vector.shape_cast %parallel_loop3A_139 : vector<16xf32> to vector<16xf32>
        %parallel_loop3A_141 = arith.index_cast %parallel_loop3A_137 : i32 to index
        %parallel_loop3A_142 = tpu.vector_load %arg7[%parallel_loop3A_141] {strides = array<i32>} : memref<2048xf32, #tpu.memory_space<vmem>>, vector<16xf32>,
        %parallel_loop3A_143 = vector.shape_cast %parallel_loop3A_142 : vector<16xf32> to vector<16xf32>
        %parallel_loop3A_144 = arith.index_cast %parallel_loop3A_137 : i32 to index
        %parallel_loop3A_145 = tpu.vector_load %arg8[%parallel_loop3A_144] {strides = array<i32>} : memref<2048xf32, #tpu.memory_space<vmem>>, vector<16xf32>,
        %parallel_loop3A_146 = vector.shape_cast %parallel_loop3A_145 : vector<16xf32> to vector<16xf32>
        %parallel_loop3A_147 = arith.constant 0 : i32
        %parallel_loop3A_148 = vector.broadcast %parallel_loop3A_147 : i32 to vector<16xi32>
        %parallel_loop3A_149 = arith.constant 0 : i32
        %parallel_loop3A_150 = vector.broadcast %parallel_loop3A_149 : i32 to vector<16xi32>
        %parallel_loop3A_151 = arith.cmpi slt, %parallel_loop3A_148, %parallel_loop3A_150 : vector<16xi32>
        %parallel_loop3A_152 = arith.constant 16 : i32
        %parallel_loop3A_153 = vector.broadcast %parallel_loop3A_152 : i32 to vector<16xi32>
        %parallel_loop3A_154 = arith.addi %parallel_loop3A_148, %parallel_loop3A_153 : vector<16xi32>
        %parallel_loop3A_155 = arith.select %parallel_loop3A_151, %parallel_loop3A_154, %parallel_loop3A_148 : vector<16xi1>, vector<16xi32>
        %parallel_loop3A_156 = vector.shape_cast %parallel_loop3A_155 : vector<16xi32> to vector<16x1xi32>
        %parallel_loop3A_157 = vector.shape_cast %parallel_loop3A_156 : vector<16x1xi32> to vector<16xi32>
        %parallel_loop3A_158 = tpu.dynamic_gather %parallel_loop3A_140[%parallel_loop3A_157] in [0] : vector<16xf32>, vector<16xi32> -> vector<16xf32>
        %parallel_loop3A_159 = arith.constant 0 : i32
        %parallel_loop3A_160 = vector.broadcast %parallel_loop3A_159 : i32 to vector<16xi32>
        %parallel_loop3A_161 = arith.cmpi slt, %parallel_loop3A_148, %parallel_loop3A_160 : vector<16xi32>
        %parallel_loop3A_162 = arith.constant 16 : i32
        %parallel_loop3A_163 = vector.broadcast %parallel_loop3A_162 : i32 to vector<16xi32>
        %parallel_loop3A_164 = arith.addi %parallel_loop3A_148, %parallel_loop3A_163 : vector<16xi32>
        %parallel_loop3A_165 = arith.select %parallel_loop3A_161, %parallel_loop3A_164, %parallel_loop3A_148 : vector<16xi1>, vector<16xi32>
        %parallel_loop3A_166 = vector.shape_cast %parallel_loop3A_165 : vector<16xi32> to vector<16x1xi32>
        %parallel_loop3A_167 = vector.shape_cast %parallel_loop3A_166 : vector<16x1xi32> to vector<16xi32>
        %parallel_loop3A_168 = tpu.dynamic_gather %parallel_loop3A_143[%parallel_loop3A_167] in [0] : vector<16xf32>, vector<16xi32> -> vector<16xf32>
        %parallel_loop3A_169 = arith.constant 0 : i32
        %parallel_loop3A_170 = vector.broadcast %parallel_loop3A_169 : i32 to vector<16xi32>
        %parallel_loop3A_171 = arith.cmpi slt, %parallel_loop3A_148, %parallel_loop3A_170 : vector<16xi32>
        %parallel_loop3A_172 = arith.constant 16 : i32
        %parallel_loop3A_173 = vector.broadcast %parallel_loop3A_172 : i32 to vector<16xi32>
        %parallel_loop3A_174 = arith.addi %parallel_loop3A_148, %parallel_loop3A_173 : vector<16xi32>
        %parallel_loop3A_175 = arith.select %parallel_loop3A_171, %parallel_loop3A_174, %parallel_loop3A_148 : vector<16xi1>, vector<16xi32>
        %parallel_loop3A_176 = vector.shape_cast %parallel_loop3A_175 : vector<16xi32> to vector<16x1xi32>
        %parallel_loop3A_177 = vector.shape_cast %parallel_loop3A_176 : vector<16x1xi32> to vector<16xi32>
        %parallel_loop3A_178 = tpu.dynamic_gather %parallel_loop3A_146[%parallel_loop3A_177] in [0] : vector<16xf32>, vector<16xi32> -> vector<16xf32>
        %parallel_loop3A_179 = arith.constant 0 : i32
        %parallel_loop3A_180 = vector.broadcast %parallel_loop3A_179 : i32 to vector<16xi32>
        %parallel_loop3A_181 = arith.subf %get3A_58, %parallel_loop3A_158 : vector<16xf32>
        %parallel_loop3A_182 = arith.subf %get3A_68, %parallel_loop3A_168 : vector<16xf32>
        %parallel_loop3A_183 = arith.subf %get3A_78, %parallel_loop3A_178 : vector<16xf32>
        %parallel_loop3A_184 = arith.mulf %parallel_loop3A_181, %parallel_loop3A_181 : vector<16xf32>
        %parallel_loop3A_185 = arith.mulf %parallel_loop3A_182, %parallel_loop3A_182 : vector<16xf32>
        %parallel_loop3A_186 = arith.addf %parallel_loop3A_184, %parallel_loop3A_185 : vector<16xf32>
        %parallel_loop3A_187 = arith.mulf %parallel_loop3A_183, %parallel_loop3A_183 : vector<16xf32>
        %parallel_loop3A_188 = arith.addf %parallel_loop3A_186, %parallel_loop3A_187 : vector<16xf32>
        %parallel_loop3A_189 = arith.subf %get3A_63, %parallel_loop3A_158 : vector<16xf32>
        %parallel_loop3A_190 = arith.subf %get3A_73, %parallel_loop3A_168 : vector<16xf32>
        %parallel_loop3A_191 = arith.subf %get3A_83, %parallel_loop3A_178 : vector<16xf32>
        %parallel_loop3A_192 = arith.mulf %parallel_loop3A_189, %parallel_loop3A_189 : vector<16xf32>
        %parallel_loop3A_193 = arith.mulf %parallel_loop3A_190, %parallel_loop3A_190 : vector<16xf32>
        %parallel_loop3A_194 = arith.addf %parallel_loop3A_192, %parallel_loop3A_193 : vector<16xf32>
        %parallel_loop3A_195 = arith.mulf %parallel_loop3A_191, %parallel_loop3A_191 : vector<16xf32>
        %parallel_loop3A_196 = arith.addf %parallel_loop3A_194, %parallel_loop3A_195 : vector<16xf32>
        %parallel_loop3A_197 = arith.constant 1 : i32
        %parallel_loop3A_198 = vector.broadcast %parallel_loop3A_197 : i32 to vector<16xi32>
        %parallel_loop3A_199 = arith.constant 0 : i32
        %parallel_loop3A_200 = vector.broadcast %parallel_loop3A_199 : i32 to vector<16xi32>
        %parallel_loop3A_201 = arith.cmpi slt, %parallel_loop3A_198, %parallel_loop3A_200 : vector<16xi32>
        %parallel_loop3A_202 = arith.constant 16 : i32
        %parallel_loop3A_203 = vector.broadcast %parallel_loop3A_202 : i32 to vector<16xi32>
        %parallel_loop3A_204 = arith.addi %parallel_loop3A_198, %parallel_loop3A_203 : vector<16xi32>
        %parallel_loop3A_205 = arith.select %parallel_loop3A_201, %parallel_loop3A_204, %parallel_loop3A_198 : vector<16xi1>, vector<16xi32>
        %parallel_loop3A_206 = vector.shape_cast %parallel_loop3A_205 : vector<16xi32> to vector<16x1xi32>
        %parallel_loop3A_207 = vector.shape_cast %parallel_loop3A_206 : vector<16x1xi32> to vector<16xi32>
        %parallel_loop3A_208 = tpu.dynamic_gather %parallel_loop3A_140[%parallel_loop3A_207] in [0] : vector<16xf32>, vector<16xi32> -> vector<16xf32>
        %parallel_loop3A_209 = arith.constant 0 : i32
        %parallel_loop3A_210 = vector.broadcast %parallel_loop3A_209 : i32 to vector<16xi32>
        %parallel_loop3A_211 = arith.cmpi slt, %parallel_loop3A_198, %parallel_loop3A_210 : vector<16xi32>
        %parallel_loop3A_212 = arith.constant 16 : i32
        %parallel_loop3A_213 = vector.broadcast %parallel_loop3A_212 : i32 to vector<16xi32>
        %parallel_loop3A_214 = arith.addi %parallel_loop3A_198, %parallel_loop3A_213 : vector<16xi32>
        %parallel_loop3A_215 = arith.select %parallel_loop3A_211, %parallel_loop3A_214, %parallel_loop3A_198 : vector<16xi1>, vector<16xi32>
        %parallel_loop3A_216 = vector.shape_cast %parallel_loop3A_215 : vector<16xi32> to vector<16x1xi32>
        %parallel_loop3A_217 = vector.shape_cast %parallel_loop3A_216 : vector<16x1xi32> to vector<16xi32>
        %parallel_loop3A_218 = tpu.dynamic_gather %parallel_loop3A_143[%parallel_loop3A_217] in [0] : vector<16xf32>, vector<16xi32> -> vector<16xf32>
        %parallel_loop3A_219 = arith.constant 0 : i32
        %parallel_loop3A_220 = vector.broadcast %parallel_loop3A_219 : i32 to vector<16xi32>
        %parallel_loop3A_221 = arith.cmpi slt, %parallel_loop3A_198, %parallel_loop3A_220 : vector<16xi32>
        %parallel_loop3A_222 = arith.constant 16 : i32
        %parallel_loop3A_223 = vector.broadcast %parallel_loop3A_222 : i32 to vector<16xi32>
        %parallel_loop3A_224 = arith.addi %parallel_loop3A_198, %parallel_loop3A_223 : vector<16xi32>
        %parallel_loop3A_225 = arith.select %parallel_loop3A_221, %parallel_loop3A_224, %parallel_loop3A_198 : vector<16xi1>, vector<16xi32>
        %parallel_loop3A_226 = vector.shape_cast %parallel_loop3A_225 : vector<16xi32> to vector<16x1xi32>
        %parallel_loop3A_227 = vector.shape_cast %parallel_loop3A_226 : vector<16x1xi32> to vector<16xi32>
        %parallel_loop3A_228 = tpu.dynamic_gather %parallel_loop3A_146[%parallel_loop3A_227] in [0] : vector<16xf32>, vector<16xi32> -> vector<16xf32>
        %parallel_loop3A_229 = arith.constant 1 : i32
        %parallel_loop3A_230 = vector.broadcast %parallel_loop3A_229 : i32 to vector<16xi32>
        %parallel_loop3A_231 = arith.subf %get3A_58, %parallel_loop3A_208 : vector<16xf32>
        %parallel_loop3A_232 = arith.subf %get3A_68, %parallel_loop3A_218 : vector<16xf32>
        %parallel_loop3A_233 = arith.subf %get3A_78, %parallel_loop3A_228 : vector<16xf32>
        %parallel_loop3A_234 = arith.mulf %parallel_loop3A_231, %parallel_loop3A_231 : vector<16xf32>
        %parallel_loop3A_235 = arith.mulf %parallel_loop3A_232, %parallel_loop3A_232 : vector<16xf32>
        %parallel_loop3A_236 = arith.addf %parallel_loop3A_234, %parallel_loop3A_235 : vector<16xf32>
        %parallel_loop3A_237 = arith.mulf %parallel_loop3A_233, %parallel_loop3A_233 : vector<16xf32>
        %parallel_loop3A_238 = arith.addf %parallel_loop3A_236, %parallel_loop3A_237 : vector<16xf32>
        %parallel_loop3A_239 = arith.cmpf olt, %parallel_loop3A_238, %parallel_loop3A_188 : vector<16xf32>
        %parallel_loop3A_240 = arith.minimumf %parallel_loop3A_188, %parallel_loop3A_238 : vector<16xf32>
        %parallel_loop3A_241 = arith.select %parallel_loop3A_239, %parallel_loop3A_230, %parallel_loop3A_180 : vector<16xi1>, vector<16xi32>
        %parallel_loop3A_242 = arith.subf %get3A_63, %parallel_loop3A_208 : vector<16xf32>
        %parallel_loop3A_243 = arith.subf %get3A_73, %parallel_loop3A_218 : vector<16xf32>
        %parallel_loop3A_244 = arith.subf %get3A_83, %parallel_loop3A_228 : vector<16xf32>
        %parallel_loop3A_245 = arith.mulf %parallel_loop3A_242, %parallel_loop3A_242 : vector<16xf32>
        %parallel_loop3A_246 = arith.mulf %parallel_loop3A_243, %parallel_loop3A_243 : vector<16xf32>
        %parallel_loop3A_247 = arith.addf %parallel_loop3A_245, %parallel_loop3A_246 : vector<16xf32>
        %parallel_loop3A_248 = arith.mulf %parallel_loop3A_244, %parallel_loop3A_244 : vector<16xf32>
        %parallel_loop3A_249 = arith.addf %parallel_loop3A_247, %parallel_loop3A_248 : vector<16xf32>
        %parallel_loop3A_250 = arith.cmpf olt, %parallel_loop3A_249, %parallel_loop3A_196 : vector<16xf32>
        %parallel_loop3A_251 = arith.minimumf %parallel_loop3A_196, %parallel_loop3A_249 : vector<16xf32>
        %parallel_loop3A_252 = arith.select %parallel_loop3A_250, %parallel_loop3A_230, %parallel_loop3A_180 : vector<16xi1>, vector<16xi32>
        %parallel_loop3A_253 = arith.constant 2 : i32
        %parallel_loop3A_254 = vector.broadcast %parallel_loop3A_253 : i32 to vector<16xi32>
        %parallel_loop3A_255 = arith.constant 0 : i32
        %parallel_loop3A_256 = vector.broadcast %parallel_loop3A_255 : i32 to vector<16xi32>
        %parallel_loop3A_257 = arith.cmpi slt, %parallel_loop3A_254, %parallel_loop3A_256 : vector<16xi32>
        %parallel_loop3A_258 = arith.constant 16 : i32
        %parallel_loop3A_259 = vector.broadcast %parallel_loop3A_258 : i32 to vector<16xi32>
        %parallel_loop3A_260 = arith.addi %parallel_loop3A_254, %parallel_loop3A_259 : vector<16xi32>
        %parallel_loop3A_261 = arith.select %parallel_loop3A_257, %parallel_loop3A_260, %parallel_loop3A_254 : vector<16xi1>, vector<16xi32>
        %parallel_loop3A_262 = vector.shape_cast %parallel_loop3A_261 : vector<16xi32> to vector<16x1xi32>
        %parallel_loop3A_263 = vector.shape_cast %parallel_loop3A_262 : vector<16x1xi32> to vector<16xi32>
        %parallel_loop3A_264 = tpu.dynamic_gather %parallel_loop3A_140[%parallel_loop3A_263] in [0] : vector<16xf32>, vector<16xi32> -> vector<16xf32>
        %parallel_loop3A_265 = arith.constant 0 : i32
        %parallel_loop3A_266 = vector.broadcast %parallel_loop3A_265 : i32 to vector<16xi32>
        %parallel_loop3A_267 = arith.cmpi slt, %parallel_loop3A_254, %parallel_loop3A_266 : vector<16xi32>
        %parallel_loop3A_268 = arith.constant 16 : i32
        %parallel_loop3A_269 = vector.broadcast %parallel_loop3A_268 : i32 to vector<16xi32>
        %parallel_loop3A_270 = arith.addi %parallel_loop3A_254, %parallel_loop3A_269 : vector<16xi32>
        %parallel_loop3A_271 = arith.select %parallel_loop3A_267, %parallel_loop3A_270, %parallel_loop3A_254 : vector<16xi1>, vector<16xi32>
        %parallel_loop3A_272 = vector.shape_cast %parallel_loop3A_271 : vector<16xi32> to vector<16x1xi32>
        %parallel_loop3A_273 = vector.shape_cast %parallel_loop3A_272 : vector<16x1xi32> to vector<16xi32>
        %parallel_loop3A_274 = tpu.dynamic_gather %parallel_loop3A_143[%parallel_loop3A_273] in [0] : vector<16xf32>, vector<16xi32> -> vector<16xf32>
        %parallel_loop3A_275 = arith.constant 0 : i32
        %parallel_loop3A_276 = vector.broadcast %parallel_loop3A_275 : i32 to vector<16xi32>
        %parallel_loop3A_277 = arith.cmpi slt, %parallel_loop3A_254, %parallel_loop3A_276 : vector<16xi32>
        %parallel_loop3A_278 = arith.constant 16 : i32
        %parallel_loop3A_279 = vector.broadcast %parallel_loop3A_278 : i32 to vector<16xi32>
        %parallel_loop3A_280 = arith.addi %parallel_loop3A_254, %parallel_loop3A_279 : vector<16xi32>
        %parallel_loop3A_281 = arith.select %parallel_loop3A_277, %parallel_loop3A_280, %parallel_loop3A_254 : vector<16xi1>, vector<16xi32>
        %parallel_loop3A_282 = vector.shape_cast %parallel_loop3A_281 : vector<16xi32> to vector<16x1xi32>
        %parallel_loop3A_283 = vector.shape_cast %parallel_loop3A_282 : vector<16x1xi32> to vector<16xi32>
        %parallel_loop3A_284 = tpu.dynamic_gather %parallel_loop3A_146[%parallel_loop3A_283] in [0] : vector<16xf32>, vector<16xi32> -> vector<16xf32>
        %parallel_loop3A_285 = arith.constant 2 : i32
        %parallel_loop3A_286 = vector.broadcast %parallel_loop3A_285 : i32 to vector<16xi32>
        %parallel_loop3A_287 = arith.subf %get3A_58, %parallel_loop3A_264 : vector<16xf32>
        %parallel_loop3A_288 = arith.subf %get3A_68, %parallel_loop3A_274 : vector<16xf32>
        %parallel_loop3A_289 = arith.subf %get3A_78, %parallel_loop3A_284 : vector<16xf32>
        %parallel_loop3A_290 = arith.mulf %parallel_loop3A_287, %parallel_loop3A_287 : vector<16xf32>
        %parallel_loop3A_291 = arith.mulf %parallel_loop3A_288, %parallel_loop3A_288 : vector<16xf32>
        %parallel_loop3A_292 = arith.addf %parallel_loop3A_290, %parallel_loop3A_291 : vector<16xf32>
        %parallel_loop3A_293 = arith.mulf %parallel_loop3A_289, %parallel_loop3A_289 : vector<16xf32>
        %parallel_loop3A_294 = arith.addf %parallel_loop3A_292, %parallel_loop3A_293 : vector<16xf32>
        %parallel_loop3A_295 = arith.cmpf olt, %parallel_loop3A_294, %parallel_loop3A_240 : vector<16xf32>
        %parallel_loop3A_296 = arith.minimumf %parallel_loop3A_240, %parallel_loop3A_294 : vector<16xf32>
        %parallel_loop3A_297 = arith.select %parallel_loop3A_295, %parallel_loop3A_286, %parallel_loop3A_241 : vector<16xi1>, vector<16xi32>
        %parallel_loop3A_298 = arith.subf %get3A_63, %parallel_loop3A_264 : vector<16xf32>
        %parallel_loop3A_299 = arith.subf %get3A_73, %parallel_loop3A_274 : vector<16xf32>
        %parallel_loop3A_300 = arith.subf %get3A_83, %parallel_loop3A_284 : vector<16xf32>
        %parallel_loop3A_301 = arith.mulf %parallel_loop3A_298, %parallel_loop3A_298 : vector<16xf32>
        %parallel_loop3A_302 = arith.mulf %parallel_loop3A_299, %parallel_loop3A_299 : vector<16xf32>
        %parallel_loop3A_303 = arith.addf %parallel_loop3A_301, %parallel_loop3A_302 : vector<16xf32>
        %parallel_loop3A_304 = arith.mulf %parallel_loop3A_300, %parallel_loop3A_300 : vector<16xf32>
        %parallel_loop3A_305 = arith.addf %parallel_loop3A_303, %parallel_loop3A_304 : vector<16xf32>
        %parallel_loop3A_306 = arith.cmpf olt, %parallel_loop3A_305, %parallel_loop3A_251 : vector<16xf32>
        %parallel_loop3A_307 = arith.minimumf %parallel_loop3A_251, %parallel_loop3A_305 : vector<16xf32>
        %parallel_loop3A_308 = arith.select %parallel_loop3A_306, %parallel_loop3A_286, %parallel_loop3A_252 : vector<16xi1>, vector<16xi32>
        %parallel_loop3A_309 = arith.constant 3 : i32
        %parallel_loop3A_310 = vector.broadcast %parallel_loop3A_309 : i32 to vector<16xi32>
        %parallel_loop3A_311 = arith.constant 0 : i32
        %parallel_loop3A_312 = vector.broadcast %parallel_loop3A_311 : i32 to vector<16xi32>
        %parallel_loop3A_313 = arith.cmpi slt, %parallel_loop3A_310, %parallel_loop3A_312 : vector<16xi32>
        %parallel_loop3A_314 = arith.constant 16 : i32
        %parallel_loop3A_315 = vector.broadcast %parallel_loop3A_314 : i32 to vector<16xi32>
        %parallel_loop3A_316 = arith.addi %parallel_loop3A_310, %parallel_loop3A_315 : vector<16xi32>
        %parallel_loop3A_317 = arith.select %parallel_loop3A_313, %parallel_loop3A_316, %parallel_loop3A_310 : vector<16xi1>, vector<16xi32>
        %parallel_loop3A_318 = vector.shape_cast %parallel_loop3A_317 : vector<16xi32> to vector<16x1xi32>
        %parallel_loop3A_319 = vector.shape_cast %parallel_loop3A_318 : vector<16x1xi32> to vector<16xi32>
        %parallel_loop3A_320 = tpu.dynamic_gather %parallel_loop3A_140[%parallel_loop3A_319] in [0] : vector<16xf32>, vector<16xi32> -> vector<16xf32>
        %parallel_loop3A_321 = arith.constant 0 : i32
        %parallel_loop3A_322 = vector.broadcast %parallel_loop3A_321 : i32 to vector<16xi32>
        %parallel_loop3A_323 = arith.cmpi slt, %parallel_loop3A_310, %parallel_loop3A_322 : vector<16xi32>
        %parallel_loop3A_324 = arith.constant 16 : i32
        %parallel_loop3A_325 = vector.broadcast %parallel_loop3A_324 : i32 to vector<16xi32>
        %parallel_loop3A_326 = arith.addi %parallel_loop3A_310, %parallel_loop3A_325 : vector<16xi32>
        %parallel_loop3A_327 = arith.select %parallel_loop3A_323, %parallel_loop3A_326, %parallel_loop3A_310 : vector<16xi1>, vector<16xi32>
        %parallel_loop3A_328 = vector.shape_cast %parallel_loop3A_327 : vector<16xi32> to vector<16x1xi32>
        %parallel_loop3A_329 = vector.shape_cast %parallel_loop3A_328 : vector<16x1xi32> to vector<16xi32>
        %parallel_loop3A_330 = tpu.dynamic_gather %parallel_loop3A_143[%parallel_loop3A_329] in [0] : vector<16xf32>, vector<16xi32> -> vector<16xf32>
        %parallel_loop3A_331 = arith.constant 0 : i32
        %parallel_loop3A_332 = vector.broadcast %parallel_loop3A_331 : i32 to vector<16xi32>
        %parallel_loop3A_333 = arith.cmpi slt, %parallel_loop3A_310, %parallel_loop3A_332 : vector<16xi32>
        %parallel_loop3A_334 = arith.constant 16 : i32
        %parallel_loop3A_335 = vector.broadcast %parallel_loop3A_334 : i32 to vector<16xi32>
        %parallel_loop3A_336 = arith.addi %parallel_loop3A_310, %parallel_loop3A_335 : vector<16xi32>
        %parallel_loop3A_337 = arith.select %parallel_loop3A_333, %parallel_loop3A_336, %parallel_loop3A_310 : vector<16xi1>, vector<16xi32>
        %parallel_loop3A_338 = vector.shape_cast %parallel_loop3A_337 : vector<16xi32> to vector<16x1xi32>
        %parallel_loop3A_339 = vector.shape_cast %parallel_loop3A_338 : vector<16x1xi32> to vector<16xi32>
        %parallel_loop3A_340 = tpu.dynamic_gather %parallel_loop3A_146[%parallel_loop3A_339] in [0] : vector<16xf32>, vector<16xi32> -> vector<16xf32>
        %parallel_loop3A_341 = arith.constant 3 : i32
        %parallel_loop3A_342 = vector.broadcast %parallel_loop3A_341 : i32 to vector<16xi32>
        %parallel_loop3A_343 = arith.subf %get3A_58, %parallel_loop3A_320 : vector<16xf32>
        %parallel_loop3A_344 = arith.subf %get3A_68, %parallel_loop3A_330 : vector<16xf32>
        %parallel_loop3A_345 = arith.subf %get3A_78, %parallel_loop3A_340 : vector<16xf32>
        %parallel_loop3A_346 = arith.mulf %parallel_loop3A_343, %parallel_loop3A_343 : vector<16xf32>
        %parallel_loop3A_347 = arith.mulf %parallel_loop3A_344, %parallel_loop3A_344 : vector<16xf32>
        %parallel_loop3A_348 = arith.addf %parallel_loop3A_346, %parallel_loop3A_347 : vector<16xf32>
        %parallel_loop3A_349 = arith.mulf %parallel_loop3A_345, %parallel_loop3A_345 : vector<16xf32>
        %parallel_loop3A_350 = arith.addf %parallel_loop3A_348, %parallel_loop3A_349 : vector<16xf32>
        %parallel_loop3A_351 = arith.cmpf olt, %parallel_loop3A_350, %parallel_loop3A_296 : vector<16xf32>
        %parallel_loop3A_352 = arith.minimumf %parallel_loop3A_296, %parallel_loop3A_350 : vector<16xf32>
        %parallel_loop3A_353 = arith.select %parallel_loop3A_351, %parallel_loop3A_342, %parallel_loop3A_297 : vector<16xi1>, vector<16xi32>
        %parallel_loop3A_354 = arith.subf %get3A_63, %parallel_loop3A_320 : vector<16xf32>
        %parallel_loop3A_355 = arith.subf %get3A_73, %parallel_loop3A_330 : vector<16xf32>
        %parallel_loop3A_356 = arith.subf %get3A_83, %parallel_loop3A_340 : vector<16xf32>
        %parallel_loop3A_357 = arith.mulf %parallel_loop3A_354, %parallel_loop3A_354 : vector<16xf32>
        %parallel_loop3A_358 = arith.mulf %parallel_loop3A_355, %parallel_loop3A_355 : vector<16xf32>
        %parallel_loop3A_359 = arith.addf %parallel_loop3A_357, %parallel_loop3A_358 : vector<16xf32>
        %parallel_loop3A_360 = arith.mulf %parallel_loop3A_356, %parallel_loop3A_356 : vector<16xf32>
        %parallel_loop3A_361 = arith.addf %parallel_loop3A_359, %parallel_loop3A_360 : vector<16xf32>
        %parallel_loop3A_362 = arith.cmpf olt, %parallel_loop3A_361, %parallel_loop3A_307 : vector<16xf32>
        %parallel_loop3A_363 = arith.minimumf %parallel_loop3A_307, %parallel_loop3A_361 : vector<16xf32>
        %parallel_loop3A_364 = arith.select %parallel_loop3A_362, %parallel_loop3A_342, %parallel_loop3A_308 : vector<16xi1>, vector<16xi32>
        %parallel_loop3A_365 = arith.constant 4 : i32
        %parallel_loop3A_366 = vector.broadcast %parallel_loop3A_365 : i32 to vector<16xi32>
        %parallel_loop3A_367 = arith.constant 0 : i32
        %parallel_loop3A_368 = vector.broadcast %parallel_loop3A_367 : i32 to vector<16xi32>
        %parallel_loop3A_369 = arith.cmpi slt, %parallel_loop3A_366, %parallel_loop3A_368 : vector<16xi32>
        %parallel_loop3A_370 = arith.constant 16 : i32
        %parallel_loop3A_371 = vector.broadcast %parallel_loop3A_370 : i32 to vector<16xi32>
        %parallel_loop3A_372 = arith.addi %parallel_loop3A_366, %parallel_loop3A_371 : vector<16xi32>
        %parallel_loop3A_373 = arith.select %parallel_loop3A_369, %parallel_loop3A_372, %parallel_loop3A_366 : vector<16xi1>, vector<16xi32>
        %parallel_loop3A_374 = vector.shape_cast %parallel_loop3A_373 : vector<16xi32> to vector<16x1xi32>
        %parallel_loop3A_375 = vector.shape_cast %parallel_loop3A_374 : vector<16x1xi32> to vector<16xi32>
        %parallel_loop3A_376 = tpu.dynamic_gather %parallel_loop3A_140[%parallel_loop3A_375] in [0] : vector<16xf32>, vector<16xi32> -> vector<16xf32>
        %parallel_loop3A_377 = arith.constant 0 : i32
        %parallel_loop3A_378 = vector.broadcast %parallel_loop3A_377 : i32 to vector<16xi32>
        %parallel_loop3A_379 = arith.cmpi slt, %parallel_loop3A_366, %parallel_loop3A_378 : vector<16xi32>
        %parallel_loop3A_380 = arith.constant 16 : i32
        %parallel_loop3A_381 = vector.broadcast %parallel_loop3A_380 : i32 to vector<16xi32>
        %parallel_loop3A_382 = arith.addi %parallel_loop3A_366, %parallel_loop3A_381 : vector<16xi32>
        %parallel_loop3A_383 = arith.select %parallel_loop3A_379, %parallel_loop3A_382, %parallel_loop3A_366 : vector<16xi1>, vector<16xi32>
        %parallel_loop3A_384 = vector.shape_cast %parallel_loop3A_383 : vector<16xi32> to vector<16x1xi32>
        %parallel_loop3A_385 = vector.shape_cast %parallel_loop3A_384 : vector<16x1xi32> to vector<16xi32>
        %parallel_loop3A_386 = tpu.dynamic_gather %parallel_loop3A_143[%parallel_loop3A_385] in [0] : vector<16xf32>, vector<16xi32> -> vector<16xf32>
        %parallel_loop3A_387 = arith.constant 0 : i32
        %parallel_loop3A_388 = vector.broadcast %parallel_loop3A_387 : i32 to vector<16xi32>
        %parallel_loop3A_389 = arith.cmpi slt, %parallel_loop3A_366, %parallel_loop3A_388 : vector<16xi32>
        %parallel_loop3A_390 = arith.constant 16 : i32
        %parallel_loop3A_391 = vector.broadcast %parallel_loop3A_390 : i32 to vector<16xi32>
        %parallel_loop3A_392 = arith.addi %parallel_loop3A_366, %parallel_loop3A_391 : vector<16xi32>
        %parallel_loop3A_393 = arith.select %parallel_loop3A_389, %parallel_loop3A_392, %parallel_loop3A_366 : vector<16xi1>, vector<16xi32>
        %parallel_loop3A_394 = vector.shape_cast %parallel_loop3A_393 : vector<16xi32> to vector<16x1xi32>
        %parallel_loop3A_395 = vector.shape_cast %parallel_loop3A_394 : vector<16x1xi32> to vector<16xi32>
        %parallel_loop3A_396 = tpu.dynamic_gather %parallel_loop3A_146[%parallel_loop3A_395] in [0] : vector<16xf32>, vector<16xi32> -> vector<16xf32>
        %parallel_loop3A_397 = arith.constant 4 : i32
        %parallel_loop3A_398 = vector.broadcast %parallel_loop3A_397 : i32 to vector<16xi32>
        %parallel_loop3A_399 = arith.subf %get3A_58, %parallel_loop3A_376 : vector<16xf32>
        %parallel_loop3A_400 = arith.subf %get3A_68, %parallel_loop3A_386 : vector<16xf32>
        %parallel_loop3A_401 = arith.subf %get3A_78, %parallel_loop3A_396 : vector<16xf32>
        %parallel_loop3A_402 = arith.mulf %parallel_loop3A_399, %parallel_loop3A_399 : vector<16xf32>
        %parallel_loop3A_403 = arith.mulf %parallel_loop3A_400, %parallel_loop3A_400 : vector<16xf32>
        %parallel_loop3A_404 = arith.addf %parallel_loop3A_402, %parallel_loop3A_403 : vector<16xf32>
        %parallel_loop3A_405 = arith.mulf %parallel_loop3A_401, %parallel_loop3A_401 : vector<16xf32>
        %parallel_loop3A_406 = arith.addf %parallel_loop3A_404, %parallel_loop3A_405 : vector<16xf32>
        %parallel_loop3A_407 = arith.cmpf olt, %parallel_loop3A_406, %parallel_loop3A_352 : vector<16xf32>
        %parallel_loop3A_408 = arith.minimumf %parallel_loop3A_352, %parallel_loop3A_406 : vector<16xf32>
        %parallel_loop3A_409 = arith.select %parallel_loop3A_407, %parallel_loop3A_398, %parallel_loop3A_353 : vector<16xi1>, vector<16xi32>
        %parallel_loop3A_410 = arith.subf %get3A_63, %parallel_loop3A_376 : vector<16xf32>
        %parallel_loop3A_411 = arith.subf %get3A_73, %parallel_loop3A_386 : vector<16xf32>
        %parallel_loop3A_412 = arith.subf %get3A_83, %parallel_loop3A_396 : vector<16xf32>
        %parallel_loop3A_413 = arith.mulf %parallel_loop3A_410, %parallel_loop3A_410 : vector<16xf32>
        %parallel_loop3A_414 = arith.mulf %parallel_loop3A_411, %parallel_loop3A_411 : vector<16xf32>
        %parallel_loop3A_415 = arith.addf %parallel_loop3A_413, %parallel_loop3A_414 : vector<16xf32>
        %parallel_loop3A_416 = arith.mulf %parallel_loop3A_412, %parallel_loop3A_412 : vector<16xf32>
        %parallel_loop3A_417 = arith.addf %parallel_loop3A_415, %parallel_loop3A_416 : vector<16xf32>
        %parallel_loop3A_418 = arith.cmpf olt, %parallel_loop3A_417, %parallel_loop3A_363 : vector<16xf32>
        %parallel_loop3A_419 = arith.minimumf %parallel_loop3A_363, %parallel_loop3A_417 : vector<16xf32>
        %parallel_loop3A_420 = arith.select %parallel_loop3A_418, %parallel_loop3A_398, %parallel_loop3A_364 : vector<16xi1>, vector<16xi32>
        %parallel_loop3A_421 = arith.constant 5 : i32
        %parallel_loop3A_422 = vector.broadcast %parallel_loop3A_421 : i32 to vector<16xi32>
        %parallel_loop3A_423 = arith.constant 0 : i32
        %parallel_loop3A_424 = vector.broadcast %parallel_loop3A_423 : i32 to vector<16xi32>
        %parallel_loop3A_425 = arith.cmpi slt, %parallel_loop3A_422, %parallel_loop3A_424 : vector<16xi32>
        %parallel_loop3A_426 = arith.constant 16 : i32
        %parallel_loop3A_427 = vector.broadcast %parallel_loop3A_426 : i32 to vector<16xi32>
        %parallel_loop3A_428 = arith.addi %parallel_loop3A_422, %parallel_loop3A_427 : vector<16xi32>
        %parallel_loop3A_429 = arith.select %parallel_loop3A_425, %parallel_loop3A_428, %parallel_loop3A_422 : vector<16xi1>, vector<16xi32>
        %parallel_loop3A_430 = vector.shape_cast %parallel_loop3A_429 : vector<16xi32> to vector<16x1xi32>
        %parallel_loop3A_431 = vector.shape_cast %parallel_loop3A_430 : vector<16x1xi32> to vector<16xi32>
        %parallel_loop3A_432 = tpu.dynamic_gather %parallel_loop3A_140[%parallel_loop3A_431] in [0] : vector<16xf32>, vector<16xi32> -> vector<16xf32>
        %parallel_loop3A_433 = arith.constant 0 : i32
        %parallel_loop3A_434 = vector.broadcast %parallel_loop3A_433 : i32 to vector<16xi32>
        %parallel_loop3A_435 = arith.cmpi slt, %parallel_loop3A_422, %parallel_loop3A_434 : vector<16xi32>
        %parallel_loop3A_436 = arith.constant 16 : i32
        %parallel_loop3A_437 = vector.broadcast %parallel_loop3A_436 : i32 to vector<16xi32>
        %parallel_loop3A_438 = arith.addi %parallel_loop3A_422, %parallel_loop3A_437 : vector<16xi32>
        %parallel_loop3A_439 = arith.select %parallel_loop3A_435, %parallel_loop3A_438, %parallel_loop3A_422 : vector<16xi1>, vector<16xi32>
        %parallel_loop3A_440 = vector.shape_cast %parallel_loop3A_439 : vector<16xi32> to vector<16x1xi32>
        %parallel_loop3A_441 = vector.shape_cast %parallel_loop3A_440 : vector<16x1xi32> to vector<16xi32>
        %parallel_loop3A_442 = tpu.dynamic_gather %parallel_loop3A_143[%parallel_loop3A_441] in [0] : vector<16xf32>, vector<16xi32> -> vector<16xf32>
        %parallel_loop3A_443 = arith.constant 0 : i32
        %parallel_loop3A_444 = vector.broadcast %parallel_loop3A_443 : i32 to vector<16xi32>
        %parallel_loop3A_445 = arith.cmpi slt, %parallel_loop3A_422, %parallel_loop3A_444 : vector<16xi32>
        %parallel_loop3A_446 = arith.constant 16 : i32
        %parallel_loop3A_447 = vector.broadcast %parallel_loop3A_446 : i32 to vector<16xi32>
        %parallel_loop3A_448 = arith.addi %parallel_loop3A_422, %parallel_loop3A_447 : vector<16xi32>
        %parallel_loop3A_449 = arith.select %parallel_loop3A_445, %parallel_loop3A_448, %parallel_loop3A_422 : vector<16xi1>, vector<16xi32>
        %parallel_loop3A_450 = vector.shape_cast %parallel_loop3A_449 : vector<16xi32> to vector<16x1xi32>
        %parallel_loop3A_451 = vector.shape_cast %parallel_loop3A_450 : vector<16x1xi32> to vector<16xi32>
        %parallel_loop3A_452 = tpu.dynamic_gather %parallel_loop3A_146[%parallel_loop3A_451] in [0] : vector<16xf32>, vector<16xi32> -> vector<16xf32>
        %parallel_loop3A_453 = arith.constant 5 : i32
        %parallel_loop3A_454 = vector.broadcast %parallel_loop3A_453 : i32 to vector<16xi32>
        %parallel_loop3A_455 = arith.subf %get3A_58, %parallel_loop3A_432 : vector<16xf32>
        %parallel_loop3A_456 = arith.subf %get3A_68, %parallel_loop3A_442 : vector<16xf32>
        %parallel_loop3A_457 = arith.subf %get3A_78, %parallel_loop3A_452 : vector<16xf32>
        %parallel_loop3A_458 = arith.mulf %parallel_loop3A_455, %parallel_loop3A_455 : vector<16xf32>
        %parallel_loop3A_459 = arith.mulf %parallel_loop3A_456, %parallel_loop3A_456 : vector<16xf32>
        %parallel_loop3A_460 = arith.addf %parallel_loop3A_458, %parallel_loop3A_459 : vector<16xf32>
        %parallel_loop3A_461 = arith.mulf %parallel_loop3A_457, %parallel_loop3A_457 : vector<16xf32>
        %parallel_loop3A_462 = arith.addf %parallel_loop3A_460, %parallel_loop3A_461 : vector<16xf32>
        %parallel_loop3A_463 = arith.cmpf olt, %parallel_loop3A_462, %parallel_loop3A_408 : vector<16xf32>
        %parallel_loop3A_464 = arith.minimumf %parallel_loop3A_408, %parallel_loop3A_462 : vector<16xf32>
        %parallel_loop3A_465 = arith.select %parallel_loop3A_463, %parallel_loop3A_454, %parallel_loop3A_409 : vector<16xi1>, vector<16xi32>
        %parallel_loop3A_466 = arith.subf %get3A_63, %parallel_loop3A_432 : vector<16xf32>
        %parallel_loop3A_467 = arith.subf %get3A_73, %parallel_loop3A_442 : vector<16xf32>
        %parallel_loop3A_468 = arith.subf %get3A_83, %parallel_loop3A_452 : vector<16xf32>
        %parallel_loop3A_469 = arith.mulf %parallel_loop3A_466, %parallel_loop3A_466 : vector<16xf32>
        %parallel_loop3A_470 = arith.mulf %parallel_loop3A_467, %parallel_loop3A_467 : vector<16xf32>
        %parallel_loop3A_471 = arith.addf %parallel_loop3A_469, %parallel_loop3A_470 : vector<16xf32>
        %parallel_loop3A_472 = arith.mulf %parallel_loop3A_468, %parallel_loop3A_468 : vector<16xf32>
        %parallel_loop3A_473 = arith.addf %parallel_loop3A_471, %parallel_loop3A_472 : vector<16xf32>
        %parallel_loop3A_474 = arith.cmpf olt, %parallel_loop3A_473, %parallel_loop3A_419 : vector<16xf32>
        %parallel_loop3A_475 = arith.minimumf %parallel_loop3A_419, %parallel_loop3A_473 : vector<16xf32>
        %parallel_loop3A_476 = arith.select %parallel_loop3A_474, %parallel_loop3A_454, %parallel_loop3A_420 : vector<16xi1>, vector<16xi32>
        %parallel_loop3A_477 = arith.constant 6 : i32
        %parallel_loop3A_478 = vector.broadcast %parallel_loop3A_477 : i32 to vector<16xi32>
        %parallel_loop3A_479 = arith.constant 0 : i32
        %parallel_loop3A_480 = vector.broadcast %parallel_loop3A_479 : i32 to vector<16xi32>
        %parallel_loop3A_481 = arith.cmpi slt, %parallel_loop3A_478, %parallel_loop3A_480 : vector<16xi32>
        %parallel_loop3A_482 = arith.constant 16 : i32
        %parallel_loop3A_483 = vector.broadcast %parallel_loop3A_482 : i32 to vector<16xi32>
        %parallel_loop3A_484 = arith.addi %parallel_loop3A_478, %parallel_loop3A_483 : vector<16xi32>
        %parallel_loop3A_485 = arith.select %parallel_loop3A_481, %parallel_loop3A_484, %parallel_loop3A_478 : vector<16xi1>, vector<16xi32>
        %parallel_loop3A_486 = vector.shape_cast %parallel_loop3A_485 : vector<16xi32> to vector<16x1xi32>
        %parallel_loop3A_487 = vector.shape_cast %parallel_loop3A_486 : vector<16x1xi32> to vector<16xi32>
        %parallel_loop3A_488 = tpu.dynamic_gather %parallel_loop3A_140[%parallel_loop3A_487] in [0] : vector<16xf32>, vector<16xi32> -> vector<16xf32>
        %parallel_loop3A_489 = arith.constant 0 : i32
        %parallel_loop3A_490 = vector.broadcast %parallel_loop3A_489 : i32 to vector<16xi32>
        %parallel_loop3A_491 = arith.cmpi slt, %parallel_loop3A_478, %parallel_loop3A_490 : vector<16xi32>
        %parallel_loop3A_492 = arith.constant 16 : i32
        %parallel_loop3A_493 = vector.broadcast %parallel_loop3A_492 : i32 to vector<16xi32>
        %parallel_loop3A_494 = arith.addi %parallel_loop3A_478, %parallel_loop3A_493 : vector<16xi32>
        %parallel_loop3A_495 = arith.select %parallel_loop3A_491, %parallel_loop3A_494, %parallel_loop3A_478 : vector<16xi1>, vector<16xi32>
        %parallel_loop3A_496 = vector.shape_cast %parallel_loop3A_495 : vector<16xi32> to vector<16x1xi32>
        %parallel_loop3A_497 = vector.shape_cast %parallel_loop3A_496 : vector<16x1xi32> to vector<16xi32>
        %parallel_loop3A_498 = tpu.dynamic_gather %parallel_loop3A_143[%parallel_loop3A_497] in [0] : vector<16xf32>, vector<16xi32> -> vector<16xf32>
        %parallel_loop3A_499 = arith.constant 0 : i32
        %parallel_loop3A_500 = vector.broadcast %parallel_loop3A_499 : i32 to vector<16xi32>
        %parallel_loop3A_501 = arith.cmpi slt, %parallel_loop3A_478, %parallel_loop3A_500 : vector<16xi32>
        %parallel_loop3A_502 = arith.constant 16 : i32
        %parallel_loop3A_503 = vector.broadcast %parallel_loop3A_502 : i32 to vector<16xi32>
        %parallel_loop3A_504 = arith.addi %parallel_loop3A_478, %parallel_loop3A_503 : vector<16xi32>
        %parallel_loop3A_505 = arith.select %parallel_loop3A_501, %parallel_loop3A_504, %parallel_loop3A_478 : vector<16xi1>, vector<16xi32>
        %parallel_loop3A_506 = vector.shape_cast %parallel_loop3A_505 : vector<16xi32> to vector<16x1xi32>
        %parallel_loop3A_507 = vector.shape_cast %parallel_loop3A_506 : vector<16x1xi32> to vector<16xi32>
        %parallel_loop3A_508 = tpu.dynamic_gather %parallel_loop3A_146[%parallel_loop3A_507] in [0] : vector<16xf32>, vector<16xi32> -> vector<16xf32>
        %parallel_loop3A_509 = arith.constant 6 : i32
        %parallel_loop3A_510 = vector.broadcast %parallel_loop3A_509 : i32 to vector<16xi32>
        %parallel_loop3A_511 = arith.subf %get3A_58, %parallel_loop3A_488 : vector<16xf32>
        %parallel_loop3A_512 = arith.subf %get3A_68, %parallel_loop3A_498 : vector<16xf32>
        %parallel_loop3A_513 = arith.subf %get3A_78, %parallel_loop3A_508 : vector<16xf32>
        %parallel_loop3A_514 = arith.mulf %parallel_loop3A_511, %parallel_loop3A_511 : vector<16xf32>
        %parallel_loop3A_515 = arith.mulf %parallel_loop3A_512, %parallel_loop3A_512 : vector<16xf32>
        %parallel_loop3A_516 = arith.addf %parallel_loop3A_514, %parallel_loop3A_515 : vector<16xf32>
        %parallel_loop3A_517 = arith.mulf %parallel_loop3A_513, %parallel_loop3A_513 : vector<16xf32>
        %parallel_loop3A_518 = arith.addf %parallel_loop3A_516, %parallel_loop3A_517 : vector<16xf32>
        %parallel_loop3A_519 = arith.cmpf olt, %parallel_loop3A_518, %parallel_loop3A_464 : vector<16xf32>
        %parallel_loop3A_520 = arith.minimumf %parallel_loop3A_464, %parallel_loop3A_518 : vector<16xf32>
        %parallel_loop3A_521 = arith.select %parallel_loop3A_519, %parallel_loop3A_510, %parallel_loop3A_465 : vector<16xi1>, vector<16xi32>
        %parallel_loop3A_522 = arith.subf %get3A_63, %parallel_loop3A_488 : vector<16xf32>
        %parallel_loop3A_523 = arith.subf %get3A_73, %parallel_loop3A_498 : vector<16xf32>
        %parallel_loop3A_524 = arith.subf %get3A_83, %parallel_loop3A_508 : vector<16xf32>
        %parallel_loop3A_525 = arith.mulf %parallel_loop3A_522, %parallel_loop3A_522 : vector<16xf32>
        %parallel_loop3A_526 = arith.mulf %parallel_loop3A_523, %parallel_loop3A_523 : vector<16xf32>
        %parallel_loop3A_527 = arith.addf %parallel_loop3A_525, %parallel_loop3A_526 : vector<16xf32>
        %parallel_loop3A_528 = arith.mulf %parallel_loop3A_524, %parallel_loop3A_524 : vector<16xf32>
        %parallel_loop3A_529 = arith.addf %parallel_loop3A_527, %parallel_loop3A_528 : vector<16xf32>
        %parallel_loop3A_530 = arith.cmpf olt, %parallel_loop3A_529, %parallel_loop3A_475 : vector<16xf32>
        %parallel_loop3A_531 = arith.minimumf %parallel_loop3A_475, %parallel_loop3A_529 : vector<16xf32>
        %parallel_loop3A_532 = arith.select %parallel_loop3A_530, %parallel_loop3A_510, %parallel_loop3A_476 : vector<16xi1>, vector<16xi32>
        %parallel_loop3A_533 = arith.constant 7 : i32
        %parallel_loop3A_534 = vector.broadcast %parallel_loop3A_533 : i32 to vector<16xi32>
        %parallel_loop3A_535 = arith.constant 0 : i32
        %parallel_loop3A_536 = vector.broadcast %parallel_loop3A_535 : i32 to vector<16xi32>
        %parallel_loop3A_537 = arith.cmpi slt, %parallel_loop3A_534, %parallel_loop3A_536 : vector<16xi32>
        %parallel_loop3A_538 = arith.constant 16 : i32
        %parallel_loop3A_539 = vector.broadcast %parallel_loop3A_538 : i32 to vector<16xi32>
        %parallel_loop3A_540 = arith.addi %parallel_loop3A_534, %parallel_loop3A_539 : vector<16xi32>
        %parallel_loop3A_541 = arith.select %parallel_loop3A_537, %parallel_loop3A_540, %parallel_loop3A_534 : vector<16xi1>, vector<16xi32>
        %parallel_loop3A_542 = vector.shape_cast %parallel_loop3A_541 : vector<16xi32> to vector<16x1xi32>
        %parallel_loop3A_543 = vector.shape_cast %parallel_loop3A_542 : vector<16x1xi32> to vector<16xi32>
        %parallel_loop3A_544 = tpu.dynamic_gather %parallel_loop3A_140[%parallel_loop3A_543] in [0] : vector<16xf32>, vector<16xi32> -> vector<16xf32>
        %parallel_loop3A_545 = arith.constant 0 : i32
        %parallel_loop3A_546 = vector.broadcast %parallel_loop3A_545 : i32 to vector<16xi32>
        %parallel_loop3A_547 = arith.cmpi slt, %parallel_loop3A_534, %parallel_loop3A_546 : vector<16xi32>
        %parallel_loop3A_548 = arith.constant 16 : i32
        %parallel_loop3A_549 = vector.broadcast %parallel_loop3A_548 : i32 to vector<16xi32>
        %parallel_loop3A_550 = arith.addi %parallel_loop3A_534, %parallel_loop3A_549 : vector<16xi32>
        %parallel_loop3A_551 = arith.select %parallel_loop3A_547, %parallel_loop3A_550, %parallel_loop3A_534 : vector<16xi1>, vector<16xi32>
        %parallel_loop3A_552 = vector.shape_cast %parallel_loop3A_551 : vector<16xi32> to vector<16x1xi32>
        %parallel_loop3A_553 = vector.shape_cast %parallel_loop3A_552 : vector<16x1xi32> to vector<16xi32>
        %parallel_loop3A_554 = tpu.dynamic_gather %parallel_loop3A_143[%parallel_loop3A_553] in [0] : vector<16xf32>, vector<16xi32> -> vector<16xf32>
        %parallel_loop3A_555 = arith.constant 0 : i32
        %parallel_loop3A_556 = vector.broadcast %parallel_loop3A_555 : i32 to vector<16xi32>
        %parallel_loop3A_557 = arith.cmpi slt, %parallel_loop3A_534, %parallel_loop3A_556 : vector<16xi32>
        %parallel_loop3A_558 = arith.constant 16 : i32
        %parallel_loop3A_559 = vector.broadcast %parallel_loop3A_558 : i32 to vector<16xi32>
        %parallel_loop3A_560 = arith.addi %parallel_loop3A_534, %parallel_loop3A_559 : vector<16xi32>
        %parallel_loop3A_561 = arith.select %parallel_loop3A_557, %parallel_loop3A_560, %parallel_loop3A_534 : vector<16xi1>, vector<16xi32>
        %parallel_loop3A_562 = vector.shape_cast %parallel_loop3A_561 : vector<16xi32> to vector<16x1xi32>
        %parallel_loop3A_563 = vector.shape_cast %parallel_loop3A_562 : vector<16x1xi32> to vector<16xi32>
        %parallel_loop3A_564 = tpu.dynamic_gather %parallel_loop3A_146[%parallel_loop3A_563] in [0] : vector<16xf32>, vector<16xi32> -> vector<16xf32>
        %parallel_loop3A_565 = arith.constant 7 : i32
        %parallel_loop3A_566 = vector.broadcast %parallel_loop3A_565 : i32 to vector<16xi32>
        %parallel_loop3A_567 = arith.subf %get3A_58, %parallel_loop3A_544 : vector<16xf32>
        %parallel_loop3A_568 = arith.subf %get3A_68, %parallel_loop3A_554 : vector<16xf32>
        %parallel_loop3A_569 = arith.subf %get3A_78, %parallel_loop3A_564 : vector<16xf32>
        %parallel_loop3A_570 = arith.mulf %parallel_loop3A_567, %parallel_loop3A_567 : vector<16xf32>
        %parallel_loop3A_571 = arith.mulf %parallel_loop3A_568, %parallel_loop3A_568 : vector<16xf32>
        %parallel_loop3A_572 = arith.addf %parallel_loop3A_570, %parallel_loop3A_571 : vector<16xf32>
        %parallel_loop3A_573 = arith.mulf %parallel_loop3A_569, %parallel_loop3A_569 : vector<16xf32>
        %parallel_loop3A_574 = arith.addf %parallel_loop3A_572, %parallel_loop3A_573 : vector<16xf32>
        %parallel_loop3A_575 = arith.cmpf olt, %parallel_loop3A_574, %parallel_loop3A_520 : vector<16xf32>
        %parallel_loop3A_576 = arith.minimumf %parallel_loop3A_520, %parallel_loop3A_574 : vector<16xf32>
        %parallel_loop3A_577 = arith.select %parallel_loop3A_575, %parallel_loop3A_566, %parallel_loop3A_521 : vector<16xi1>, vector<16xi32>
        %parallel_loop3A_578 = arith.subf %get3A_63, %parallel_loop3A_544 : vector<16xf32>
        %parallel_loop3A_579 = arith.subf %get3A_73, %parallel_loop3A_554 : vector<16xf32>
        %parallel_loop3A_580 = arith.subf %get3A_83, %parallel_loop3A_564 : vector<16xf32>
        %parallel_loop3A_581 = arith.mulf %parallel_loop3A_578, %parallel_loop3A_578 : vector<16xf32>
        %parallel_loop3A_582 = arith.mulf %parallel_loop3A_579, %parallel_loop3A_579 : vector<16xf32>
        %parallel_loop3A_583 = arith.addf %parallel_loop3A_581, %parallel_loop3A_582 : vector<16xf32>
        %parallel_loop3A_584 = arith.mulf %parallel_loop3A_580, %parallel_loop3A_580 : vector<16xf32>
        %parallel_loop3A_585 = arith.addf %parallel_loop3A_583, %parallel_loop3A_584 : vector<16xf32>
        %parallel_loop3A_586 = arith.cmpf olt, %parallel_loop3A_585, %parallel_loop3A_531 : vector<16xf32>
        %parallel_loop3A_587 = arith.minimumf %parallel_loop3A_531, %parallel_loop3A_585 : vector<16xf32>
        %parallel_loop3A_588 = arith.select %parallel_loop3A_586, %parallel_loop3A_566, %parallel_loop3A_532 : vector<16xi1>, vector<16xi32>
        %parallel_loop3A_589 = arith.constant 8 : i32
        %parallel_loop3A_590 = vector.broadcast %parallel_loop3A_589 : i32 to vector<16xi32>
        %parallel_loop3A_591 = arith.constant 0 : i32
        %parallel_loop3A_592 = vector.broadcast %parallel_loop3A_591 : i32 to vector<16xi32>
        %parallel_loop3A_593 = arith.cmpi slt, %parallel_loop3A_590, %parallel_loop3A_592 : vector<16xi32>
        %parallel_loop3A_594 = arith.constant 16 : i32
        %parallel_loop3A_595 = vector.broadcast %parallel_loop3A_594 : i32 to vector<16xi32>
        %parallel_loop3A_596 = arith.addi %parallel_loop3A_590, %parallel_loop3A_595 : vector<16xi32>
        %parallel_loop3A_597 = arith.select %parallel_loop3A_593, %parallel_loop3A_596, %parallel_loop3A_590 : vector<16xi1>, vector<16xi32>
        %parallel_loop3A_598 = vector.shape_cast %parallel_loop3A_597 : vector<16xi32> to vector<16x1xi32>
        %parallel_loop3A_599 = vector.shape_cast %parallel_loop3A_598 : vector<16x1xi32> to vector<16xi32>
        %parallel_loop3A_600 = tpu.dynamic_gather %parallel_loop3A_140[%parallel_loop3A_599] in [0] : vector<16xf32>, vector<16xi32> -> vector<16xf32>
        %parallel_loop3A_601 = arith.constant 0 : i32
        %parallel_loop3A_602 = vector.broadcast %parallel_loop3A_601 : i32 to vector<16xi32>
        %parallel_loop3A_603 = arith.cmpi slt, %parallel_loop3A_590, %parallel_loop3A_602 : vector<16xi32>
        %parallel_loop3A_604 = arith.constant 16 : i32
        %parallel_loop3A_605 = vector.broadcast %parallel_loop3A_604 : i32 to vector<16xi32>
        %parallel_loop3A_606 = arith.addi %parallel_loop3A_590, %parallel_loop3A_605 : vector<16xi32>
        %parallel_loop3A_607 = arith.select %parallel_loop3A_603, %parallel_loop3A_606, %parallel_loop3A_590 : vector<16xi1>, vector<16xi32>
        %parallel_loop3A_608 = vector.shape_cast %parallel_loop3A_607 : vector<16xi32> to vector<16x1xi32>
        %parallel_loop3A_609 = vector.shape_cast %parallel_loop3A_608 : vector<16x1xi32> to vector<16xi32>
        %parallel_loop3A_610 = tpu.dynamic_gather %parallel_loop3A_143[%parallel_loop3A_609] in [0] : vector<16xf32>, vector<16xi32> -> vector<16xf32>
        %parallel_loop3A_611 = arith.constant 0 : i32
        %parallel_loop3A_612 = vector.broadcast %parallel_loop3A_611 : i32 to vector<16xi32>
        %parallel_loop3A_613 = arith.cmpi slt, %parallel_loop3A_590, %parallel_loop3A_612 : vector<16xi32>
        %parallel_loop3A_614 = arith.constant 16 : i32
        %parallel_loop3A_615 = vector.broadcast %parallel_loop3A_614 : i32 to vector<16xi32>
        %parallel_loop3A_616 = arith.addi %parallel_loop3A_590, %parallel_loop3A_615 : vector<16xi32>
        %parallel_loop3A_617 = arith.select %parallel_loop3A_613, %parallel_loop3A_616, %parallel_loop3A_590 : vector<16xi1>, vector<16xi32>
        %parallel_loop3A_618 = vector.shape_cast %parallel_loop3A_617 : vector<16xi32> to vector<16x1xi32>
        %parallel_loop3A_619 = vector.shape_cast %parallel_loop3A_618 : vector<16x1xi32> to vector<16xi32>
        %parallel_loop3A_620 = tpu.dynamic_gather %parallel_loop3A_146[%parallel_loop3A_619] in [0] : vector<16xf32>, vector<16xi32> -> vector<16xf32>
        %parallel_loop3A_621 = arith.constant 8 : i32
        %parallel_loop3A_622 = vector.broadcast %parallel_loop3A_621 : i32 to vector<16xi32>
        %parallel_loop3A_623 = arith.subf %get3A_58, %parallel_loop3A_600 : vector<16xf32>
        %parallel_loop3A_624 = arith.subf %get3A_68, %parallel_loop3A_610 : vector<16xf32>
        %parallel_loop3A_625 = arith.subf %get3A_78, %parallel_loop3A_620 : vector<16xf32>
        %parallel_loop3A_626 = arith.mulf %parallel_loop3A_623, %parallel_loop3A_623 : vector<16xf32>
        %parallel_loop3A_627 = arith.mulf %parallel_loop3A_624, %parallel_loop3A_624 : vector<16xf32>
        %parallel_loop3A_628 = arith.addf %parallel_loop3A_626, %parallel_loop3A_627 : vector<16xf32>
        %parallel_loop3A_629 = arith.mulf %parallel_loop3A_625, %parallel_loop3A_625 : vector<16xf32>
        %parallel_loop3A_630 = arith.addf %parallel_loop3A_628, %parallel_loop3A_629 : vector<16xf32>
        %parallel_loop3A_631 = arith.cmpf olt, %parallel_loop3A_630, %parallel_loop3A_576 : vector<16xf32>
        %parallel_loop3A_632 = arith.minimumf %parallel_loop3A_576, %parallel_loop3A_630 : vector<16xf32>
        %parallel_loop3A_633 = arith.select %parallel_loop3A_631, %parallel_loop3A_622, %parallel_loop3A_577 : vector<16xi1>, vector<16xi32>
        %parallel_loop3A_634 = arith.subf %get3A_63, %parallel_loop3A_600 : vector<16xf32>
        %parallel_loop3A_635 = arith.subf %get3A_73, %parallel_loop3A_610 : vector<16xf32>
        %parallel_loop3A_636 = arith.subf %get3A_83, %parallel_loop3A_620 : vector<16xf32>
        %parallel_loop3A_637 = arith.mulf %parallel_loop3A_634, %parallel_loop3A_634 : vector<16xf32>
        %parallel_loop3A_638 = arith.mulf %parallel_loop3A_635, %parallel_loop3A_635 : vector<16xf32>
        %parallel_loop3A_639 = arith.addf %parallel_loop3A_637, %parallel_loop3A_638 : vector<16xf32>
        %parallel_loop3A_640 = arith.mulf %parallel_loop3A_636, %parallel_loop3A_636 : vector<16xf32>
        %parallel_loop3A_641 = arith.addf %parallel_loop3A_639, %parallel_loop3A_640 : vector<16xf32>
        %parallel_loop3A_642 = arith.cmpf olt, %parallel_loop3A_641, %parallel_loop3A_587 : vector<16xf32>
        %parallel_loop3A_643 = arith.minimumf %parallel_loop3A_587, %parallel_loop3A_641 : vector<16xf32>
        %parallel_loop3A_644 = arith.select %parallel_loop3A_642, %parallel_loop3A_622, %parallel_loop3A_588 : vector<16xi1>, vector<16xi32>
        %parallel_loop3A_645 = arith.constant 9 : i32
        %parallel_loop3A_646 = vector.broadcast %parallel_loop3A_645 : i32 to vector<16xi32>
        %parallel_loop3A_647 = arith.constant 0 : i32
        %parallel_loop3A_648 = vector.broadcast %parallel_loop3A_647 : i32 to vector<16xi32>
        %parallel_loop3A_649 = arith.cmpi slt, %parallel_loop3A_646, %parallel_loop3A_648 : vector<16xi32>
        %parallel_loop3A_650 = arith.constant 16 : i32
        %parallel_loop3A_651 = vector.broadcast %parallel_loop3A_650 : i32 to vector<16xi32>
        %parallel_loop3A_652 = arith.addi %parallel_loop3A_646, %parallel_loop3A_651 : vector<16xi32>
        %parallel_loop3A_653 = arith.select %parallel_loop3A_649, %parallel_loop3A_652, %parallel_loop3A_646 : vector<16xi1>, vector<16xi32>
        %parallel_loop3A_654 = vector.shape_cast %parallel_loop3A_653 : vector<16xi32> to vector<16x1xi32>
        %parallel_loop3A_655 = vector.shape_cast %parallel_loop3A_654 : vector<16x1xi32> to vector<16xi32>
        %parallel_loop3A_656 = tpu.dynamic_gather %parallel_loop3A_140[%parallel_loop3A_655] in [0] : vector<16xf32>, vector<16xi32> -> vector<16xf32>
        %parallel_loop3A_657 = arith.constant 0 : i32
        %parallel_loop3A_658 = vector.broadcast %parallel_loop3A_657 : i32 to vector<16xi32>
        %parallel_loop3A_659 = arith.cmpi slt, %parallel_loop3A_646, %parallel_loop3A_658 : vector<16xi32>
        %parallel_loop3A_660 = arith.constant 16 : i32
        %parallel_loop3A_661 = vector.broadcast %parallel_loop3A_660 : i32 to vector<16xi32>
        %parallel_loop3A_662 = arith.addi %parallel_loop3A_646, %parallel_loop3A_661 : vector<16xi32>
        %parallel_loop3A_663 = arith.select %parallel_loop3A_659, %parallel_loop3A_662, %parallel_loop3A_646 : vector<16xi1>, vector<16xi32>
        %parallel_loop3A_664 = vector.shape_cast %parallel_loop3A_663 : vector<16xi32> to vector<16x1xi32>
        %parallel_loop3A_665 = vector.shape_cast %parallel_loop3A_664 : vector<16x1xi32> to vector<16xi32>
        %parallel_loop3A_666 = tpu.dynamic_gather %parallel_loop3A_143[%parallel_loop3A_665] in [0] : vector<16xf32>, vector<16xi32> -> vector<16xf32>
        %parallel_loop3A_667 = arith.constant 0 : i32
        %parallel_loop3A_668 = vector.broadcast %parallel_loop3A_667 : i32 to vector<16xi32>
        %parallel_loop3A_669 = arith.cmpi slt, %parallel_loop3A_646, %parallel_loop3A_668 : vector<16xi32>
        %parallel_loop3A_670 = arith.constant 16 : i32
        %parallel_loop3A_671 = vector.broadcast %parallel_loop3A_670 : i32 to vector<16xi32>
        %parallel_loop3A_672 = arith.addi %parallel_loop3A_646, %parallel_loop3A_671 : vector<16xi32>
        %parallel_loop3A_673 = arith.select %parallel_loop3A_669, %parallel_loop3A_672, %parallel_loop3A_646 : vector<16xi1>, vector<16xi32>
        %parallel_loop3A_674 = vector.shape_cast %parallel_loop3A_673 : vector<16xi32> to vector<16x1xi32>
        %parallel_loop3A_675 = vector.shape_cast %parallel_loop3A_674 : vector<16x1xi32> to vector<16xi32>
        %parallel_loop3A_676 = tpu.dynamic_gather %parallel_loop3A_146[%parallel_loop3A_675] in [0] : vector<16xf32>, vector<16xi32> -> vector<16xf32>
        %parallel_loop3A_677 = arith.constant 9 : i32
        %parallel_loop3A_678 = vector.broadcast %parallel_loop3A_677 : i32 to vector<16xi32>
        %parallel_loop3A_679 = arith.subf %get3A_58, %parallel_loop3A_656 : vector<16xf32>
        %parallel_loop3A_680 = arith.subf %get3A_68, %parallel_loop3A_666 : vector<16xf32>
        %parallel_loop3A_681 = arith.subf %get3A_78, %parallel_loop3A_676 : vector<16xf32>
        %parallel_loop3A_682 = arith.mulf %parallel_loop3A_679, %parallel_loop3A_679 : vector<16xf32>
        %parallel_loop3A_683 = arith.mulf %parallel_loop3A_680, %parallel_loop3A_680 : vector<16xf32>
        %parallel_loop3A_684 = arith.addf %parallel_loop3A_682, %parallel_loop3A_683 : vector<16xf32>
        %parallel_loop3A_685 = arith.mulf %parallel_loop3A_681, %parallel_loop3A_681 : vector<16xf32>
        %parallel_loop3A_686 = arith.addf %parallel_loop3A_684, %parallel_loop3A_685 : vector<16xf32>
        %parallel_loop3A_687 = arith.cmpf olt, %parallel_loop3A_686, %parallel_loop3A_632 : vector<16xf32>
        %parallel_loop3A_688 = arith.minimumf %parallel_loop3A_632, %parallel_loop3A_686 : vector<16xf32>
        %parallel_loop3A_689 = arith.select %parallel_loop3A_687, %parallel_loop3A_678, %parallel_loop3A_633 : vector<16xi1>, vector<16xi32>
        %parallel_loop3A_690 = arith.subf %get3A_63, %parallel_loop3A_656 : vector<16xf32>
        %parallel_loop3A_691 = arith.subf %get3A_73, %parallel_loop3A_666 : vector<16xf32>
        %parallel_loop3A_692 = arith.subf %get3A_83, %parallel_loop3A_676 : vector<16xf32>
        %parallel_loop3A_693 = arith.mulf %parallel_loop3A_690, %parallel_loop3A_690 : vector<16xf32>
        %parallel_loop3A_694 = arith.mulf %parallel_loop3A_691, %parallel_loop3A_691 : vector<16xf32>
        %parallel_loop3A_695 = arith.addf %parallel_loop3A_693, %parallel_loop3A_694 : vector<16xf32>
        %parallel_loop3A_696 = arith.mulf %parallel_loop3A_692, %parallel_loop3A_692 : vector<16xf32>
        %parallel_loop3A_697 = arith.addf %parallel_loop3A_695, %parallel_loop3A_696 : vector<16xf32>
        %parallel_loop3A_698 = arith.cmpf olt, %parallel_loop3A_697, %parallel_loop3A_643 : vector<16xf32>
        %parallel_loop3A_699 = arith.minimumf %parallel_loop3A_643, %parallel_loop3A_697 : vector<16xf32>
        %parallel_loop3A_700 = arith.select %parallel_loop3A_698, %parallel_loop3A_678, %parallel_loop3A_644 : vector<16xi1>, vector<16xi32>
        %parallel_loop3A_701 = arith.constant 10 : i32
        %parallel_loop3A_702 = vector.broadcast %parallel_loop3A_701 : i32 to vector<16xi32>
        %parallel_loop3A_703 = arith.constant 0 : i32
        %parallel_loop3A_704 = vector.broadcast %parallel_loop3A_703 : i32 to vector<16xi32>
        %parallel_loop3A_705 = arith.cmpi slt, %parallel_loop3A_702, %parallel_loop3A_704 : vector<16xi32>
        %parallel_loop3A_706 = arith.constant 16 : i32
        %parallel_loop3A_707 = vector.broadcast %parallel_loop3A_706 : i32 to vector<16xi32>
        %parallel_loop3A_708 = arith.addi %parallel_loop3A_702, %parallel_loop3A_707 : vector<16xi32>
        %parallel_loop3A_709 = arith.select %parallel_loop3A_705, %parallel_loop3A_708, %parallel_loop3A_702 : vector<16xi1>, vector<16xi32>
        %parallel_loop3A_710 = vector.shape_cast %parallel_loop3A_709 : vector<16xi32> to vector<16x1xi32>
        %parallel_loop3A_711 = vector.shape_cast %parallel_loop3A_710 : vector<16x1xi32> to vector<16xi32>
        %parallel_loop3A_712 = tpu.dynamic_gather %parallel_loop3A_140[%parallel_loop3A_711] in [0] : vector<16xf32>, vector<16xi32> -> vector<16xf32>
        %parallel_loop3A_713 = arith.constant 0 : i32
        %parallel_loop3A_714 = vector.broadcast %parallel_loop3A_713 : i32 to vector<16xi32>
        %parallel_loop3A_715 = arith.cmpi slt, %parallel_loop3A_702, %parallel_loop3A_714 : vector<16xi32>
        %parallel_loop3A_716 = arith.constant 16 : i32
        %parallel_loop3A_717 = vector.broadcast %parallel_loop3A_716 : i32 to vector<16xi32>
        %parallel_loop3A_718 = arith.addi %parallel_loop3A_702, %parallel_loop3A_717 : vector<16xi32>
        %parallel_loop3A_719 = arith.select %parallel_loop3A_715, %parallel_loop3A_718, %parallel_loop3A_702 : vector<16xi1>, vector<16xi32>
        %parallel_loop3A_720 = vector.shape_cast %parallel_loop3A_719 : vector<16xi32> to vector<16x1xi32>
        %parallel_loop3A_721 = vector.shape_cast %parallel_loop3A_720 : vector<16x1xi32> to vector<16xi32>
        %parallel_loop3A_722 = tpu.dynamic_gather %parallel_loop3A_143[%parallel_loop3A_721] in [0] : vector<16xf32>, vector<16xi32> -> vector<16xf32>
        %parallel_loop3A_723 = arith.constant 0 : i32
        %parallel_loop3A_724 = vector.broadcast %parallel_loop3A_723 : i32 to vector<16xi32>
        %parallel_loop3A_725 = arith.cmpi slt, %parallel_loop3A_702, %parallel_loop3A_724 : vector<16xi32>
        %parallel_loop3A_726 = arith.constant 16 : i32
        %parallel_loop3A_727 = vector.broadcast %parallel_loop3A_726 : i32 to vector<16xi32>
        %parallel_loop3A_728 = arith.addi %parallel_loop3A_702, %parallel_loop3A_727 : vector<16xi32>
        %parallel_loop3A_729 = arith.select %parallel_loop3A_725, %parallel_loop3A_728, %parallel_loop3A_702 : vector<16xi1>, vector<16xi32>
        %parallel_loop3A_730 = vector.shape_cast %parallel_loop3A_729 : vector<16xi32> to vector<16x1xi32>
        %parallel_loop3A_731 = vector.shape_cast %parallel_loop3A_730 : vector<16x1xi32> to vector<16xi32>
        %parallel_loop3A_732 = tpu.dynamic_gather %parallel_loop3A_146[%parallel_loop3A_731] in [0] : vector<16xf32>, vector<16xi32> -> vector<16xf32>
        %parallel_loop3A_733 = arith.constant 10 : i32
        %parallel_loop3A_734 = vector.broadcast %parallel_loop3A_733 : i32 to vector<16xi32>
        %parallel_loop3A_735 = arith.subf %get3A_58, %parallel_loop3A_712 : vector<16xf32>
        %parallel_loop3A_736 = arith.subf %get3A_68, %parallel_loop3A_722 : vector<16xf32>
        %parallel_loop3A_737 = arith.subf %get3A_78, %parallel_loop3A_732 : vector<16xf32>
        %parallel_loop3A_738 = arith.mulf %parallel_loop3A_735, %parallel_loop3A_735 : vector<16xf32>
        %parallel_loop3A_739 = arith.mulf %parallel_loop3A_736, %parallel_loop3A_736 : vector<16xf32>
        %parallel_loop3A_740 = arith.addf %parallel_loop3A_738, %parallel_loop3A_739 : vector<16xf32>
        %parallel_loop3A_741 = arith.mulf %parallel_loop3A_737, %parallel_loop3A_737 : vector<16xf32>
        %parallel_loop3A_742 = arith.addf %parallel_loop3A_740, %parallel_loop3A_741 : vector<16xf32>
        %parallel_loop3A_743 = arith.cmpf olt, %parallel_loop3A_742, %parallel_loop3A_688 : vector<16xf32>
        %parallel_loop3A_744 = arith.minimumf %parallel_loop3A_688, %parallel_loop3A_742 : vector<16xf32>
        %parallel_loop3A_745 = arith.select %parallel_loop3A_743, %parallel_loop3A_734, %parallel_loop3A_689 : vector<16xi1>, vector<16xi32>
        %parallel_loop3A_746 = arith.subf %get3A_63, %parallel_loop3A_712 : vector<16xf32>
        %parallel_loop3A_747 = arith.subf %get3A_73, %parallel_loop3A_722 : vector<16xf32>
        %parallel_loop3A_748 = arith.subf %get3A_83, %parallel_loop3A_732 : vector<16xf32>
        %parallel_loop3A_749 = arith.mulf %parallel_loop3A_746, %parallel_loop3A_746 : vector<16xf32>
        %parallel_loop3A_750 = arith.mulf %parallel_loop3A_747, %parallel_loop3A_747 : vector<16xf32>
        %parallel_loop3A_751 = arith.addf %parallel_loop3A_749, %parallel_loop3A_750 : vector<16xf32>
        %parallel_loop3A_752 = arith.mulf %parallel_loop3A_748, %parallel_loop3A_748 : vector<16xf32>
        %parallel_loop3A_753 = arith.addf %parallel_loop3A_751, %parallel_loop3A_752 : vector<16xf32>
        %parallel_loop3A_754 = arith.cmpf olt, %parallel_loop3A_753, %parallel_loop3A_699 : vector<16xf32>
        %parallel_loop3A_755 = arith.minimumf %parallel_loop3A_699, %parallel_loop3A_753 : vector<16xf32>
        %parallel_loop3A_756 = arith.select %parallel_loop3A_754, %parallel_loop3A_734, %parallel_loop3A_700 : vector<16xi1>, vector<16xi32>
        %parallel_loop3A_757 = arith.constant 11 : i32
        %parallel_loop3A_758 = vector.broadcast %parallel_loop3A_757 : i32 to vector<16xi32>
        %parallel_loop3A_759 = arith.constant 0 : i32
        %parallel_loop3A_760 = vector.broadcast %parallel_loop3A_759 : i32 to vector<16xi32>
        %parallel_loop3A_761 = arith.cmpi slt, %parallel_loop3A_758, %parallel_loop3A_760 : vector<16xi32>
        %parallel_loop3A_762 = arith.constant 16 : i32
        %parallel_loop3A_763 = vector.broadcast %parallel_loop3A_762 : i32 to vector<16xi32>
        %parallel_loop3A_764 = arith.addi %parallel_loop3A_758, %parallel_loop3A_763 : vector<16xi32>
        %parallel_loop3A_765 = arith.select %parallel_loop3A_761, %parallel_loop3A_764, %parallel_loop3A_758 : vector<16xi1>, vector<16xi32>
        %parallel_loop3A_766 = vector.shape_cast %parallel_loop3A_765 : vector<16xi32> to vector<16x1xi32>
        %parallel_loop3A_767 = vector.shape_cast %parallel_loop3A_766 : vector<16x1xi32> to vector<16xi32>
        %parallel_loop3A_768 = tpu.dynamic_gather %parallel_loop3A_140[%parallel_loop3A_767] in [0] : vector<16xf32>, vector<16xi32> -> vector<16xf32>
        %parallel_loop3A_769 = arith.constant 0 : i32
        %parallel_loop3A_770 = vector.broadcast %parallel_loop3A_769 : i32 to vector<16xi32>
        %parallel_loop3A_771 = arith.cmpi slt, %parallel_loop3A_758, %parallel_loop3A_770 : vector<16xi32>
        %parallel_loop3A_772 = arith.constant 16 : i32
        %parallel_loop3A_773 = vector.broadcast %parallel_loop3A_772 : i32 to vector<16xi32>
        %parallel_loop3A_774 = arith.addi %parallel_loop3A_758, %parallel_loop3A_773 : vector<16xi32>
        %parallel_loop3A_775 = arith.select %parallel_loop3A_771, %parallel_loop3A_774, %parallel_loop3A_758 : vector<16xi1>, vector<16xi32>
        %parallel_loop3A_776 = vector.shape_cast %parallel_loop3A_775 : vector<16xi32> to vector<16x1xi32>
        %parallel_loop3A_777 = vector.shape_cast %parallel_loop3A_776 : vector<16x1xi32> to vector<16xi32>
        %parallel_loop3A_778 = tpu.dynamic_gather %parallel_loop3A_143[%parallel_loop3A_777] in [0] : vector<16xf32>, vector<16xi32> -> vector<16xf32>
        %parallel_loop3A_779 = arith.constant 0 : i32
        %parallel_loop3A_780 = vector.broadcast %parallel_loop3A_779 : i32 to vector<16xi32>
        %parallel_loop3A_781 = arith.cmpi slt, %parallel_loop3A_758, %parallel_loop3A_780 : vector<16xi32>
        %parallel_loop3A_782 = arith.constant 16 : i32
        %parallel_loop3A_783 = vector.broadcast %parallel_loop3A_782 : i32 to vector<16xi32>
        %parallel_loop3A_784 = arith.addi %parallel_loop3A_758, %parallel_loop3A_783 : vector<16xi32>
        %parallel_loop3A_785 = arith.select %parallel_loop3A_781, %parallel_loop3A_784, %parallel_loop3A_758 : vector<16xi1>, vector<16xi32>
        %parallel_loop3A_786 = vector.shape_cast %parallel_loop3A_785 : vector<16xi32> to vector<16x1xi32>
        %parallel_loop3A_787 = vector.shape_cast %parallel_loop3A_786 : vector<16x1xi32> to vector<16xi32>
        %parallel_loop3A_788 = tpu.dynamic_gather %parallel_loop3A_146[%parallel_loop3A_787] in [0] : vector<16xf32>, vector<16xi32> -> vector<16xf32>
        %parallel_loop3A_789 = arith.constant 11 : i32
        %parallel_loop3A_790 = vector.broadcast %parallel_loop3A_789 : i32 to vector<16xi32>
        %parallel_loop3A_791 = arith.subf %get3A_58, %parallel_loop3A_768 : vector<16xf32>
        %parallel_loop3A_792 = arith.subf %get3A_68, %parallel_loop3A_778 : vector<16xf32>
        %parallel_loop3A_793 = arith.subf %get3A_78, %parallel_loop3A_788 : vector<16xf32>
        %parallel_loop3A_794 = arith.mulf %parallel_loop3A_791, %parallel_loop3A_791 : vector<16xf32>
        %parallel_loop3A_795 = arith.mulf %parallel_loop3A_792, %parallel_loop3A_792 : vector<16xf32>
        %parallel_loop3A_796 = arith.addf %parallel_loop3A_794, %parallel_loop3A_795 : vector<16xf32>
        %parallel_loop3A_797 = arith.mulf %parallel_loop3A_793, %parallel_loop3A_793 : vector<16xf32>
        %parallel_loop3A_798 = arith.addf %parallel_loop3A_796, %parallel_loop3A_797 : vector<16xf32>
        %parallel_loop3A_799 = arith.cmpf olt, %parallel_loop3A_798, %parallel_loop3A_744 : vector<16xf32>
        %parallel_loop3A_800 = arith.minimumf %parallel_loop3A_744, %parallel_loop3A_798 : vector<16xf32>
        %parallel_loop3A_801 = arith.select %parallel_loop3A_799, %parallel_loop3A_790, %parallel_loop3A_745 : vector<16xi1>, vector<16xi32>
        %parallel_loop3A_802 = arith.subf %get3A_63, %parallel_loop3A_768 : vector<16xf32>
        %parallel_loop3A_803 = arith.subf %get3A_73, %parallel_loop3A_778 : vector<16xf32>
        %parallel_loop3A_804 = arith.subf %get3A_83, %parallel_loop3A_788 : vector<16xf32>
        %parallel_loop3A_805 = arith.mulf %parallel_loop3A_802, %parallel_loop3A_802 : vector<16xf32>
        %parallel_loop3A_806 = arith.mulf %parallel_loop3A_803, %parallel_loop3A_803 : vector<16xf32>
        %parallel_loop3A_807 = arith.addf %parallel_loop3A_805, %parallel_loop3A_806 : vector<16xf32>
        %parallel_loop3A_808 = arith.mulf %parallel_loop3A_804, %parallel_loop3A_804 : vector<16xf32>
        %parallel_loop3A_809 = arith.addf %parallel_loop3A_807, %parallel_loop3A_808 : vector<16xf32>
        %parallel_loop3A_810 = arith.cmpf olt, %parallel_loop3A_809, %parallel_loop3A_755 : vector<16xf32>
        %parallel_loop3A_811 = arith.minimumf %parallel_loop3A_755, %parallel_loop3A_809 : vector<16xf32>
        %parallel_loop3A_812 = arith.select %parallel_loop3A_810, %parallel_loop3A_790, %parallel_loop3A_756 : vector<16xi1>, vector<16xi32>
        %parallel_loop3A_813 = arith.constant 12 : i32
        %parallel_loop3A_814 = vector.broadcast %parallel_loop3A_813 : i32 to vector<16xi32>
        %parallel_loop3A_815 = arith.constant 0 : i32
        %parallel_loop3A_816 = vector.broadcast %parallel_loop3A_815 : i32 to vector<16xi32>
        %parallel_loop3A_817 = arith.cmpi slt, %parallel_loop3A_814, %parallel_loop3A_816 : vector<16xi32>
        %parallel_loop3A_818 = arith.constant 16 : i32
        %parallel_loop3A_819 = vector.broadcast %parallel_loop3A_818 : i32 to vector<16xi32>
        %parallel_loop3A_820 = arith.addi %parallel_loop3A_814, %parallel_loop3A_819 : vector<16xi32>
        %parallel_loop3A_821 = arith.select %parallel_loop3A_817, %parallel_loop3A_820, %parallel_loop3A_814 : vector<16xi1>, vector<16xi32>
        %parallel_loop3A_822 = vector.shape_cast %parallel_loop3A_821 : vector<16xi32> to vector<16x1xi32>
        %parallel_loop3A_823 = vector.shape_cast %parallel_loop3A_822 : vector<16x1xi32> to vector<16xi32>
        %parallel_loop3A_824 = tpu.dynamic_gather %parallel_loop3A_140[%parallel_loop3A_823] in [0] : vector<16xf32>, vector<16xi32> -> vector<16xf32>
        %parallel_loop3A_825 = arith.constant 0 : i32
        %parallel_loop3A_826 = vector.broadcast %parallel_loop3A_825 : i32 to vector<16xi32>
        %parallel_loop3A_827 = arith.cmpi slt, %parallel_loop3A_814, %parallel_loop3A_826 : vector<16xi32>
        %parallel_loop3A_828 = arith.constant 16 : i32
        %parallel_loop3A_829 = vector.broadcast %parallel_loop3A_828 : i32 to vector<16xi32>
        %parallel_loop3A_830 = arith.addi %parallel_loop3A_814, %parallel_loop3A_829 : vector<16xi32>
        %parallel_loop3A_831 = arith.select %parallel_loop3A_827, %parallel_loop3A_830, %parallel_loop3A_814 : vector<16xi1>, vector<16xi32>
        %parallel_loop3A_832 = vector.shape_cast %parallel_loop3A_831 : vector<16xi32> to vector<16x1xi32>
        %parallel_loop3A_833 = vector.shape_cast %parallel_loop3A_832 : vector<16x1xi32> to vector<16xi32>
        %parallel_loop3A_834 = tpu.dynamic_gather %parallel_loop3A_143[%parallel_loop3A_833] in [0] : vector<16xf32>, vector<16xi32> -> vector<16xf32>
        %parallel_loop3A_835 = arith.constant 0 : i32
        %parallel_loop3A_836 = vector.broadcast %parallel_loop3A_835 : i32 to vector<16xi32>
        %parallel_loop3A_837 = arith.cmpi slt, %parallel_loop3A_814, %parallel_loop3A_836 : vector<16xi32>
        %parallel_loop3A_838 = arith.constant 16 : i32
        %parallel_loop3A_839 = vector.broadcast %parallel_loop3A_838 : i32 to vector<16xi32>
        %parallel_loop3A_840 = arith.addi %parallel_loop3A_814, %parallel_loop3A_839 : vector<16xi32>
        %parallel_loop3A_841 = arith.select %parallel_loop3A_837, %parallel_loop3A_840, %parallel_loop3A_814 : vector<16xi1>, vector<16xi32>
        %parallel_loop3A_842 = vector.shape_cast %parallel_loop3A_841 : vector<16xi32> to vector<16x1xi32>
        %parallel_loop3A_843 = vector.shape_cast %parallel_loop3A_842 : vector<16x1xi32> to vector<16xi32>
        %parallel_loop3A_844 = tpu.dynamic_gather %parallel_loop3A_146[%parallel_loop3A_843] in [0] : vector<16xf32>, vector<16xi32> -> vector<16xf32>
        %parallel_loop3A_845 = arith.constant 12 : i32
        %parallel_loop3A_846 = vector.broadcast %parallel_loop3A_845 : i32 to vector<16xi32>
        %parallel_loop3A_847 = arith.subf %get3A_58, %parallel_loop3A_824 : vector<16xf32>
        %parallel_loop3A_848 = arith.subf %get3A_68, %parallel_loop3A_834 : vector<16xf32>
        %parallel_loop3A_849 = arith.subf %get3A_78, %parallel_loop3A_844 : vector<16xf32>
        %parallel_loop3A_850 = arith.mulf %parallel_loop3A_847, %parallel_loop3A_847 : vector<16xf32>
        %parallel_loop3A_851 = arith.mulf %parallel_loop3A_848, %parallel_loop3A_848 : vector<16xf32>
        %parallel_loop3A_852 = arith.addf %parallel_loop3A_850, %parallel_loop3A_851 : vector<16xf32>
        %parallel_loop3A_853 = arith.mulf %parallel_loop3A_849, %parallel_loop3A_849 : vector<16xf32>
        %parallel_loop3A_854 = arith.addf %parallel_loop3A_852, %parallel_loop3A_853 : vector<16xf32>
        %parallel_loop3A_855 = arith.cmpf olt, %parallel_loop3A_854, %parallel_loop3A_800 : vector<16xf32>
        %parallel_loop3A_856 = arith.minimumf %parallel_loop3A_800, %parallel_loop3A_854 : vector<16xf32>
        %parallel_loop3A_857 = arith.select %parallel_loop3A_855, %parallel_loop3A_846, %parallel_loop3A_801 : vector<16xi1>, vector<16xi32>
        %parallel_loop3A_858 = arith.subf %get3A_63, %parallel_loop3A_824 : vector<16xf32>
        %parallel_loop3A_859 = arith.subf %get3A_73, %parallel_loop3A_834 : vector<16xf32>
        %parallel_loop3A_860 = arith.subf %get3A_83, %parallel_loop3A_844 : vector<16xf32>
        %parallel_loop3A_861 = arith.mulf %parallel_loop3A_858, %parallel_loop3A_858 : vector<16xf32>
        %parallel_loop3A_862 = arith.mulf %parallel_loop3A_859, %parallel_loop3A_859 : vector<16xf32>
        %parallel_loop3A_863 = arith.addf %parallel_loop3A_861, %parallel_loop3A_862 : vector<16xf32>
        %parallel_loop3A_864 = arith.mulf %parallel_loop3A_860, %parallel_loop3A_860 : vector<16xf32>
        %parallel_loop3A_865 = arith.addf %parallel_loop3A_863, %parallel_loop3A_864 : vector<16xf32>
        %parallel_loop3A_866 = arith.cmpf olt, %parallel_loop3A_865, %parallel_loop3A_811 : vector<16xf32>
        %parallel_loop3A_867 = arith.minimumf %parallel_loop3A_811, %parallel_loop3A_865 : vector<16xf32>
        %parallel_loop3A_868 = arith.select %parallel_loop3A_866, %parallel_loop3A_846, %parallel_loop3A_812 : vector<16xi1>, vector<16xi32>
        %parallel_loop3A_869 = arith.constant 13 : i32
        %parallel_loop3A_870 = vector.broadcast %parallel_loop3A_869 : i32 to vector<16xi32>
        %parallel_loop3A_871 = arith.constant 0 : i32
        %parallel_loop3A_872 = vector.broadcast %parallel_loop3A_871 : i32 to vector<16xi32>
        %parallel_loop3A_873 = arith.cmpi slt, %parallel_loop3A_870, %parallel_loop3A_872 : vector<16xi32>
        %parallel_loop3A_874 = arith.constant 16 : i32
        %parallel_loop3A_875 = vector.broadcast %parallel_loop3A_874 : i32 to vector<16xi32>
        %parallel_loop3A_876 = arith.addi %parallel_loop3A_870, %parallel_loop3A_875 : vector<16xi32>
        %parallel_loop3A_877 = arith.select %parallel_loop3A_873, %parallel_loop3A_876, %parallel_loop3A_870 : vector<16xi1>, vector<16xi32>
        %parallel_loop3A_878 = vector.shape_cast %parallel_loop3A_877 : vector<16xi32> to vector<16x1xi32>
        %parallel_loop3A_879 = vector.shape_cast %parallel_loop3A_878 : vector<16x1xi32> to vector<16xi32>
        %parallel_loop3A_880 = tpu.dynamic_gather %parallel_loop3A_140[%parallel_loop3A_879] in [0] : vector<16xf32>, vector<16xi32> -> vector<16xf32>
        %parallel_loop3A_881 = arith.constant 0 : i32
        %parallel_loop3A_882 = vector.broadcast %parallel_loop3A_881 : i32 to vector<16xi32>
        %parallel_loop3A_883 = arith.cmpi slt, %parallel_loop3A_870, %parallel_loop3A_882 : vector<16xi32>
        %parallel_loop3A_884 = arith.constant 16 : i32
        %parallel_loop3A_885 = vector.broadcast %parallel_loop3A_884 : i32 to vector<16xi32>
        %parallel_loop3A_886 = arith.addi %parallel_loop3A_870, %parallel_loop3A_885 : vector<16xi32>
        %parallel_loop3A_887 = arith.select %parallel_loop3A_883, %parallel_loop3A_886, %parallel_loop3A_870 : vector<16xi1>, vector<16xi32>
        %parallel_loop3A_888 = vector.shape_cast %parallel_loop3A_887 : vector<16xi32> to vector<16x1xi32>
        %parallel_loop3A_889 = vector.shape_cast %parallel_loop3A_888 : vector<16x1xi32> to vector<16xi32>
        %parallel_loop3A_890 = tpu.dynamic_gather %parallel_loop3A_143[%parallel_loop3A_889] in [0] : vector<16xf32>, vector<16xi32> -> vector<16xf32>
        %parallel_loop3A_891 = arith.constant 0 : i32
        %parallel_loop3A_892 = vector.broadcast %parallel_loop3A_891 : i32 to vector<16xi32>
        %parallel_loop3A_893 = arith.cmpi slt, %parallel_loop3A_870, %parallel_loop3A_892 : vector<16xi32>
        %parallel_loop3A_894 = arith.constant 16 : i32
        %parallel_loop3A_895 = vector.broadcast %parallel_loop3A_894 : i32 to vector<16xi32>
        %parallel_loop3A_896 = arith.addi %parallel_loop3A_870, %parallel_loop3A_895 : vector<16xi32>
        %parallel_loop3A_897 = arith.select %parallel_loop3A_893, %parallel_loop3A_896, %parallel_loop3A_870 : vector<16xi1>, vector<16xi32>
        %parallel_loop3A_898 = vector.shape_cast %parallel_loop3A_897 : vector<16xi32> to vector<16x1xi32>
        %parallel_loop3A_899 = vector.shape_cast %parallel_loop3A_898 : vector<16x1xi32> to vector<16xi32>
        %parallel_loop3A_900 = tpu.dynamic_gather %parallel_loop3A_146[%parallel_loop3A_899] in [0] : vector<16xf32>, vector<16xi32> -> vector<16xf32>
        %parallel_loop3A_901 = arith.constant 13 : i32
        %parallel_loop3A_902 = vector.broadcast %parallel_loop3A_901 : i32 to vector<16xi32>
        %parallel_loop3A_903 = arith.subf %get3A_58, %parallel_loop3A_880 : vector<16xf32>
        %parallel_loop3A_904 = arith.subf %get3A_68, %parallel_loop3A_890 : vector<16xf32>
        %parallel_loop3A_905 = arith.subf %get3A_78, %parallel_loop3A_900 : vector<16xf32>
        %parallel_loop3A_906 = arith.mulf %parallel_loop3A_903, %parallel_loop3A_903 : vector<16xf32>
        %parallel_loop3A_907 = arith.mulf %parallel_loop3A_904, %parallel_loop3A_904 : vector<16xf32>
        %parallel_loop3A_908 = arith.addf %parallel_loop3A_906, %parallel_loop3A_907 : vector<16xf32>
        %parallel_loop3A_909 = arith.mulf %parallel_loop3A_905, %parallel_loop3A_905 : vector<16xf32>
        %parallel_loop3A_910 = arith.addf %parallel_loop3A_908, %parallel_loop3A_909 : vector<16xf32>
        %parallel_loop3A_911 = arith.cmpf olt, %parallel_loop3A_910, %parallel_loop3A_856 : vector<16xf32>
        %parallel_loop3A_912 = arith.minimumf %parallel_loop3A_856, %parallel_loop3A_910 : vector<16xf32>
        %parallel_loop3A_913 = arith.select %parallel_loop3A_911, %parallel_loop3A_902, %parallel_loop3A_857 : vector<16xi1>, vector<16xi32>
        %parallel_loop3A_914 = arith.subf %get3A_63, %parallel_loop3A_880 : vector<16xf32>
        %parallel_loop3A_915 = arith.subf %get3A_73, %parallel_loop3A_890 : vector<16xf32>
        %parallel_loop3A_916 = arith.subf %get3A_83, %parallel_loop3A_900 : vector<16xf32>
        %parallel_loop3A_917 = arith.mulf %parallel_loop3A_914, %parallel_loop3A_914 : vector<16xf32>
        %parallel_loop3A_918 = arith.mulf %parallel_loop3A_915, %parallel_loop3A_915 : vector<16xf32>
        %parallel_loop3A_919 = arith.addf %parallel_loop3A_917, %parallel_loop3A_918 : vector<16xf32>
        %parallel_loop3A_920 = arith.mulf %parallel_loop3A_916, %parallel_loop3A_916 : vector<16xf32>
        %parallel_loop3A_921 = arith.addf %parallel_loop3A_919, %parallel_loop3A_920 : vector<16xf32>
        %parallel_loop3A_922 = arith.cmpf olt, %parallel_loop3A_921, %parallel_loop3A_867 : vector<16xf32>
        %parallel_loop3A_923 = arith.minimumf %parallel_loop3A_867, %parallel_loop3A_921 : vector<16xf32>
        %parallel_loop3A_924 = arith.select %parallel_loop3A_922, %parallel_loop3A_902, %parallel_loop3A_868 : vector<16xi1>, vector<16xi32>
        %parallel_loop3A_925 = arith.constant 14 : i32
        %parallel_loop3A_926 = vector.broadcast %parallel_loop3A_925 : i32 to vector<16xi32>
        %parallel_loop3A_927 = arith.constant 0 : i32
        %parallel_loop3A_928 = vector.broadcast %parallel_loop3A_927 : i32 to vector<16xi32>
        %parallel_loop3A_929 = arith.cmpi slt, %parallel_loop3A_926, %parallel_loop3A_928 : vector<16xi32>
        %parallel_loop3A_930 = arith.constant 16 : i32
        %parallel_loop3A_931 = vector.broadcast %parallel_loop3A_930 : i32 to vector<16xi32>
        %parallel_loop3A_932 = arith.addi %parallel_loop3A_926, %parallel_loop3A_931 : vector<16xi32>
        %parallel_loop3A_933 = arith.select %parallel_loop3A_929, %parallel_loop3A_932, %parallel_loop3A_926 : vector<16xi1>, vector<16xi32>
        %parallel_loop3A_934 = vector.shape_cast %parallel_loop3A_933 : vector<16xi32> to vector<16x1xi32>
        %parallel_loop3A_935 = vector.shape_cast %parallel_loop3A_934 : vector<16x1xi32> to vector<16xi32>
        %parallel_loop3A_936 = tpu.dynamic_gather %parallel_loop3A_140[%parallel_loop3A_935] in [0] : vector<16xf32>, vector<16xi32> -> vector<16xf32>
        %parallel_loop3A_937 = arith.constant 0 : i32
        %parallel_loop3A_938 = vector.broadcast %parallel_loop3A_937 : i32 to vector<16xi32>
        %parallel_loop3A_939 = arith.cmpi slt, %parallel_loop3A_926, %parallel_loop3A_938 : vector<16xi32>
        %parallel_loop3A_940 = arith.constant 16 : i32
        %parallel_loop3A_941 = vector.broadcast %parallel_loop3A_940 : i32 to vector<16xi32>
        %parallel_loop3A_942 = arith.addi %parallel_loop3A_926, %parallel_loop3A_941 : vector<16xi32>
        %parallel_loop3A_943 = arith.select %parallel_loop3A_939, %parallel_loop3A_942, %parallel_loop3A_926 : vector<16xi1>, vector<16xi32>
        %parallel_loop3A_944 = vector.shape_cast %parallel_loop3A_943 : vector<16xi32> to vector<16x1xi32>
        %parallel_loop3A_945 = vector.shape_cast %parallel_loop3A_944 : vector<16x1xi32> to vector<16xi32>
        %parallel_loop3A_946 = tpu.dynamic_gather %parallel_loop3A_143[%parallel_loop3A_945] in [0] : vector<16xf32>, vector<16xi32> -> vector<16xf32>
        %parallel_loop3A_947 = arith.constant 0 : i32
        %parallel_loop3A_948 = vector.broadcast %parallel_loop3A_947 : i32 to vector<16xi32>
        %parallel_loop3A_949 = arith.cmpi slt, %parallel_loop3A_926, %parallel_loop3A_948 : vector<16xi32>
        %parallel_loop3A_950 = arith.constant 16 : i32
        %parallel_loop3A_951 = vector.broadcast %parallel_loop3A_950 : i32 to vector<16xi32>
        %parallel_loop3A_952 = arith.addi %parallel_loop3A_926, %parallel_loop3A_951 : vector<16xi32>
        %parallel_loop3A_953 = arith.select %parallel_loop3A_949, %parallel_loop3A_952, %parallel_loop3A_926 : vector<16xi1>, vector<16xi32>
        %parallel_loop3A_954 = vector.shape_cast %parallel_loop3A_953 : vector<16xi32> to vector<16x1xi32>
        %parallel_loop3A_955 = vector.shape_cast %parallel_loop3A_954 : vector<16x1xi32> to vector<16xi32>
        %parallel_loop3A_956 = tpu.dynamic_gather %parallel_loop3A_146[%parallel_loop3A_955] in [0] : vector<16xf32>, vector<16xi32> -> vector<16xf32>
        %parallel_loop3A_957 = arith.constant 14 : i32
        %parallel_loop3A_958 = vector.broadcast %parallel_loop3A_957 : i32 to vector<16xi32>
        %parallel_loop3A_959 = arith.subf %get3A_58, %parallel_loop3A_936 : vector<16xf32>
        %parallel_loop3A_960 = arith.subf %get3A_68, %parallel_loop3A_946 : vector<16xf32>
        %parallel_loop3A_961 = arith.subf %get3A_78, %parallel_loop3A_956 : vector<16xf32>
        %parallel_loop3A_962 = arith.mulf %parallel_loop3A_959, %parallel_loop3A_959 : vector<16xf32>
        %parallel_loop3A_963 = arith.mulf %parallel_loop3A_960, %parallel_loop3A_960 : vector<16xf32>
        %parallel_loop3A_964 = arith.addf %parallel_loop3A_962, %parallel_loop3A_963 : vector<16xf32>
        %parallel_loop3A_965 = arith.mulf %parallel_loop3A_961, %parallel_loop3A_961 : vector<16xf32>
        %parallel_loop3A_966 = arith.addf %parallel_loop3A_964, %parallel_loop3A_965 : vector<16xf32>
        %parallel_loop3A_967 = arith.cmpf olt, %parallel_loop3A_966, %parallel_loop3A_912 : vector<16xf32>
        %parallel_loop3A_968 = arith.minimumf %parallel_loop3A_912, %parallel_loop3A_966 : vector<16xf32>
        %parallel_loop3A_969 = arith.select %parallel_loop3A_967, %parallel_loop3A_958, %parallel_loop3A_913 : vector<16xi1>, vector<16xi32>
        %parallel_loop3A_970 = arith.subf %get3A_63, %parallel_loop3A_936 : vector<16xf32>
        %parallel_loop3A_971 = arith.subf %get3A_73, %parallel_loop3A_946 : vector<16xf32>
        %parallel_loop3A_972 = arith.subf %get3A_83, %parallel_loop3A_956 : vector<16xf32>
        %parallel_loop3A_973 = arith.mulf %parallel_loop3A_970, %parallel_loop3A_970 : vector<16xf32>
        %parallel_loop3A_974 = arith.mulf %parallel_loop3A_971, %parallel_loop3A_971 : vector<16xf32>
        %parallel_loop3A_975 = arith.addf %parallel_loop3A_973, %parallel_loop3A_974 : vector<16xf32>
        %parallel_loop3A_976 = arith.mulf %parallel_loop3A_972, %parallel_loop3A_972 : vector<16xf32>
        %parallel_loop3A_977 = arith.addf %parallel_loop3A_975, %parallel_loop3A_976 : vector<16xf32>
        %parallel_loop3A_978 = arith.cmpf olt, %parallel_loop3A_977, %parallel_loop3A_923 : vector<16xf32>
        %parallel_loop3A_979 = arith.minimumf %parallel_loop3A_923, %parallel_loop3A_977 : vector<16xf32>
        %parallel_loop3A_980 = arith.select %parallel_loop3A_978, %parallel_loop3A_958, %parallel_loop3A_924 : vector<16xi1>, vector<16xi32>
        %parallel_loop3A_981 = arith.constant 15 : i32
        %parallel_loop3A_982 = vector.broadcast %parallel_loop3A_981 : i32 to vector<16xi32>
        %parallel_loop3A_983 = arith.constant 0 : i32
        %parallel_loop3A_984 = vector.broadcast %parallel_loop3A_983 : i32 to vector<16xi32>
        %parallel_loop3A_985 = arith.cmpi slt, %parallel_loop3A_982, %parallel_loop3A_984 : vector<16xi32>
        %parallel_loop3A_986 = arith.constant 16 : i32
        %parallel_loop3A_987 = vector.broadcast %parallel_loop3A_986 : i32 to vector<16xi32>
        %parallel_loop3A_988 = arith.addi %parallel_loop3A_982, %parallel_loop3A_987 : vector<16xi32>
        %parallel_loop3A_989 = arith.select %parallel_loop3A_985, %parallel_loop3A_988, %parallel_loop3A_982 : vector<16xi1>, vector<16xi32>
        %parallel_loop3A_990 = vector.shape_cast %parallel_loop3A_989 : vector<16xi32> to vector<16x1xi32>
        %parallel_loop3A_991 = vector.shape_cast %parallel_loop3A_990 : vector<16x1xi32> to vector<16xi32>
        %parallel_loop3A_992 = tpu.dynamic_gather %parallel_loop3A_140[%parallel_loop3A_991] in [0] : vector<16xf32>, vector<16xi32> -> vector<16xf32>
        %parallel_loop3A_993 = arith.constant 0 : i32
        %parallel_loop3A_994 = vector.broadcast %parallel_loop3A_993 : i32 to vector<16xi32>
        %parallel_loop3A_995 = arith.cmpi slt, %parallel_loop3A_982, %parallel_loop3A_994 : vector<16xi32>
        %parallel_loop3A_996 = arith.constant 16 : i32
        %parallel_loop3A_997 = vector.broadcast %parallel_loop3A_996 : i32 to vector<16xi32>
        %parallel_loop3A_998 = arith.addi %parallel_loop3A_982, %parallel_loop3A_997 : vector<16xi32>
        %parallel_loop3A_999 = arith.select %parallel_loop3A_995, %parallel_loop3A_998, %parallel_loop3A_982 : vector<16xi1>, vector<16xi32>
        %parallel_loop3A_1000 = vector.shape_cast %parallel_loop3A_999 : vector<16xi32> to vector<16x1xi32>
        %parallel_loop3A_1001 = vector.shape_cast %parallel_loop3A_1000 : vector<16x1xi32> to vector<16xi32>
        %parallel_loop3A_1002 = tpu.dynamic_gather %parallel_loop3A_143[%parallel_loop3A_1001] in [0] : vector<16xf32>, vector<16xi32> -> vector<16xf32>
        %parallel_loop3A_1003 = arith.constant 0 : i32
        %parallel_loop3A_1004 = vector.broadcast %parallel_loop3A_1003 : i32 to vector<16xi32>
        %parallel_loop3A_1005 = arith.cmpi slt, %parallel_loop3A_982, %parallel_loop3A_1004 : vector<16xi32>
        %parallel_loop3A_1006 = arith.constant 16 : i32
        %parallel_loop3A_1007 = vector.broadcast %parallel_loop3A_1006 : i32 to vector<16xi32>
        %parallel_loop3A_1008 = arith.addi %parallel_loop3A_982, %parallel_loop3A_1007 : vector<16xi32>
        %parallel_loop3A_1009 = arith.select %parallel_loop3A_1005, %parallel_loop3A_1008, %parallel_loop3A_982 : vector<16xi1>, vector<16xi32>
        %parallel_loop3A_1010 = vector.shape_cast %parallel_loop3A_1009 : vector<16xi32> to vector<16x1xi32>
        %parallel_loop3A_1011 = vector.shape_cast %parallel_loop3A_1010 : vector<16x1xi32> to vector<16xi32>
        %parallel_loop3A_1012 = tpu.dynamic_gather %parallel_loop3A_146[%parallel_loop3A_1011] in [0] : vector<16xf32>, vector<16xi32> -> vector<16xf32>
        %parallel_loop3A_1013 = arith.constant 15 : i32
        %parallel_loop3A_1014 = vector.broadcast %parallel_loop3A_1013 : i32 to vector<16xi32>
        %parallel_loop3A_1015 = arith.subf %get3A_58, %parallel_loop3A_992 : vector<16xf32>
        %parallel_loop3A_1016 = arith.subf %get3A_68, %parallel_loop3A_1002 : vector<16xf32>
        %parallel_loop3A_1017 = arith.subf %get3A_78, %parallel_loop3A_1012 : vector<16xf32>
        %parallel_loop3A_1018 = arith.mulf %parallel_loop3A_1015, %parallel_loop3A_1015 : vector<16xf32>
        %parallel_loop3A_1019 = arith.mulf %parallel_loop3A_1016, %parallel_loop3A_1016 : vector<16xf32>
        %parallel_loop3A_1020 = arith.addf %parallel_loop3A_1018, %parallel_loop3A_1019 : vector<16xf32>
        %parallel_loop3A_1021 = arith.mulf %parallel_loop3A_1017, %parallel_loop3A_1017 : vector<16xf32>
        %parallel_loop3A_1022 = arith.addf %parallel_loop3A_1020, %parallel_loop3A_1021 : vector<16xf32>
        %parallel_loop3A_1023 = arith.cmpf olt, %parallel_loop3A_1022, %parallel_loop3A_968 : vector<16xf32>
        %parallel_loop3A_1024 = arith.minimumf %parallel_loop3A_968, %parallel_loop3A_1022 : vector<16xf32>
        %parallel_loop3A_1025 = arith.select %parallel_loop3A_1023, %parallel_loop3A_1014, %parallel_loop3A_969 : vector<16xi1>, vector<16xi32>
        %parallel_loop3A_1026 = arith.subf %get3A_63, %parallel_loop3A_992 : vector<16xf32>
        %parallel_loop3A_1027 = arith.subf %get3A_73, %parallel_loop3A_1002 : vector<16xf32>
        %parallel_loop3A_1028 = arith.subf %get3A_83, %parallel_loop3A_1012 : vector<16xf32>
        %parallel_loop3A_1029 = arith.mulf %parallel_loop3A_1026, %parallel_loop3A_1026 : vector<16xf32>
        %parallel_loop3A_1030 = arith.mulf %parallel_loop3A_1027, %parallel_loop3A_1027 : vector<16xf32>
        %parallel_loop3A_1031 = arith.addf %parallel_loop3A_1029, %parallel_loop3A_1030 : vector<16xf32>
        %parallel_loop3A_1032 = arith.mulf %parallel_loop3A_1028, %parallel_loop3A_1028 : vector<16xf32>
        %parallel_loop3A_1033 = arith.addf %parallel_loop3A_1031, %parallel_loop3A_1032 : vector<16xf32>
        %parallel_loop3A_1034 = arith.cmpf olt, %parallel_loop3A_1033, %parallel_loop3A_979 : vector<16xf32>
        %parallel_loop3A_1035 = arith.minimumf %parallel_loop3A_979, %parallel_loop3A_1033 : vector<16xf32>
        %parallel_loop3A_1036 = arith.select %parallel_loop3A_1034, %parallel_loop3A_1014, %parallel_loop3A_980 : vector<16xi1>, vector<16xi32>
        %parallel_loop3A_1037 = vector.broadcast %parallel_loop3A_129 : i32 to vector<16xi32>
        %parallel_loop3A_1038 = arith.cmpf olt, %parallel_loop3A_1024, %parallel_loop3A_130 : vector<16xf32>
        %parallel_loop3A_1039 = arith.minimumf %parallel_loop3A_130, %parallel_loop3A_1024 : vector<16xf32>
        %parallel_loop3A_1040 = arith.select %parallel_loop3A_1038, %parallel_loop3A_1037, %parallel_loop3A_132 : vector<16xi1>, vector<16xi32>
        %parallel_loop3A_1041 = arith.select %parallel_loop3A_1038, %parallel_loop3A_1025, %parallel_loop3A_134 : vector<16xi1>, vector<16xi32>
        %parallel_loop3A_1042 = arith.cmpf olt, %parallel_loop3A_1035, %parallel_loop3A_131 : vector<16xf32>
        %parallel_loop3A_1043 = arith.minimumf %parallel_loop3A_131, %parallel_loop3A_1035 : vector<16xf32>
        %parallel_loop3A_1044 = arith.select %parallel_loop3A_1042, %parallel_loop3A_1037, %parallel_loop3A_133 : vector<16xi1>, vector<16xi32>
        %parallel_loop3A_1045 = arith.select %parallel_loop3A_1042, %parallel_loop3A_1036, %parallel_loop3A_135 : vector<16xi1>, vector<16xi32>
        scf.yield %parallel_loop3A_1039, %parallel_loop3A_1043, %parallel_loop3A_1040, %parallel_loop3A_1044, %parallel_loop3A_1041, %parallel_loop3A_1045 : vector<16xf32>, vector<16xf32>, vector<16xi32>, vector<16xi32>, vector<16xi32>, vector<16xi32>
      } {sc.loop_unroll_factor = 2 : i64, sc.parallel_access}
      %add3A_98 = arith.constant 0 : i32
      %add3A_99 = arith.addi %mul3A_54, %add3A_98 : i32
      %swap3A = arith.index_cast %add3A_99 : i32 to index
      %swap3A_100 = tpu.vector_load %arg12[%swap3A] {strides = array<i32>} : memref<256xf32, #tpu.memory_space<vmem>>, vector<16xf32>,
      %swap3A_101 = vector.shape_cast %swap3A_100 : vector<16xf32> to vector<16xf32>
      %swap3A_102 = vector.shape_cast %parallel_loop3A_97#0 : vector<16xf32> to vector<16xf32>
      tpu.vector_store %arg12[%swap3A], %swap3A_102 {strides = array<i32>} : memref<256xf32, #tpu.memory_space<vmem>>, vector<16xf32>,
      %mul3A_103 = arith.constant 16 : i32
      %mul3A_104 = vector.broadcast %mul3A_103 : i32 to vector<16xi32>
      %mul3A_105 = arith.muli %parallel_loop3A_97#2, %mul3A_104 : vector<16xi32>
      %add3A_106 = arith.addi %mul3A_105, %parallel_loop3A_97#4 : vector<16xi32>
      %add3A_107 = arith.constant 0 : i32
      %add3A_108 = arith.addi %mul3A_54, %add3A_107 : i32
      %swap3A_109 = arith.index_cast %add3A_108 : i32 to index
      %swap3A_110 = tpu.vector_load %arg13[%swap3A_109] {strides = array<i32>} : memref<256xi32, #tpu.memory_space<vmem>>, vector<16xi32>,
      %swap3A_111 = vector.shape_cast %swap3A_110 : vector<16xi32> to vector<16xi32>
      %swap3A_112 = vector.shape_cast %add3A_106 : vector<16xi32> to vector<16xi32>
      tpu.vector_store %arg13[%swap3A_109], %swap3A_112 {strides = array<i32>} : memref<256xi32, #tpu.memory_space<vmem>>, vector<16xi32>,
      %add3A_113 = arith.constant 16 : i32
      %add3A_114 = arith.addi %mul3A_54, %add3A_113 : i32
      %swap3A_115 = arith.index_cast %add3A_114 : i32 to index
      %swap3A_116 = tpu.vector_load %arg12[%swap3A_115] {strides = array<i32>} : memref<256xf32, #tpu.memory_space<vmem>>, vector<16xf32>,
      %swap3A_117 = vector.shape_cast %swap3A_116 : vector<16xf32> to vector<16xf32>
      %swap3A_118 = vector.shape_cast %parallel_loop3A_97#1 : vector<16xf32> to vector<16xf32>
      tpu.vector_store %arg12[%swap3A_115], %swap3A_118 {strides = array<i32>} : memref<256xf32, #tpu.memory_space<vmem>>, vector<16xf32>,
      %mul3A_119 = arith.constant 16 : i32
      %mul3A_120 = vector.broadcast %mul3A_119 : i32 to vector<16xi32>
      %mul3A_121 = arith.muli %parallel_loop3A_97#3, %mul3A_120 : vector<16xi32>
      %add3A_122 = arith.addi %mul3A_121, %parallel_loop3A_97#5 : vector<16xi32>
      %add3A_123 = arith.constant 16 : i32
      %add3A_124 = arith.addi %mul3A_54, %add3A_123 : i32
      %swap3A_125 = arith.index_cast %add3A_124 : i32 to index
      %swap3A_126 = tpu.vector_load %arg13[%swap3A_125] {strides = array<i32>} : memref<256xi32, #tpu.memory_space<vmem>>, vector<16xi32>,
      %swap3A_127 = vector.shape_cast %swap3A_126 : vector<16xi32> to vector<16xi32>
      %swap3A_128 = vector.shape_cast %add3A_122 : vector<16xi32> to vector<16xi32>
      tpu.vector_store %arg13[%swap3A_125], %swap3A_128 {strides = array<i32>} : memref<256xi32, #tpu.memory_space<vmem>>, vector<16xi32>,
    }
    %scan3A_48 = arith.constant 8 : i32
    %mul3A_49 = arith.constant 2048 : i32
    %mul3A_50 = arith.muli %select_n3A, %mul3A_49 : i32
    %add3A_51 = arith.addi %mul3A_50, %mul3A_32 : i32
    "tpu.region"() ({
      %run_scoped3A = tpu.sem_alloc : memref<!tpu.dma_semaphore, #tpu.memory_space<semaphore_mem>>
      %dma_start3A = tpu.memref_slice %arg4[%add3A_51] : memref<8192xf32, #tpu.memory_space<hbm>> -> memref<256xf32, #tpu.memory_space<hbm>>
      %dma_start3A_52 = tpu.memref_slice %arg4[%add3A_51] : memref<8192xf32, #tpu.memory_space<hbm>> -> memref<256xf32, #tpu.memory_space<hbm>>
      tpu.enqueue_dma source(%arg12 : memref<256xf32, #tpu.memory_space<vmem>>) target(%dma_start3A_52 : memref<256xf32, #tpu.memory_space<hbm>>) target_semaphore(%run_scoped3A : memref<!tpu.dma_semaphore, #tpu.memory_space<semaphore_mem>>)
      %dma_wait3A = tpu.memref_slice %arg4[%add3A_51] : memref<8192xf32, #tpu.memory_space<hbm>> -> memref<256xf32, #tpu.memory_space<hbm>>
      %dma_wait3A_53 = tpu.memref_slice %arg4[%add3A_51] : memref<8192xf32, #tpu.memory_space<hbm>> -> memref<256xf32, #tpu.memory_space<hbm>>
      tpu.wait_dma2 semaphore(%run_scoped3A : memref<!tpu.dma_semaphore, #tpu.memory_space<semaphore_mem>>) src(%arg12 : memref<256xf32, #tpu.memory_space<vmem>>) dst(%dma_wait3A_53 : memref<256xf32, #tpu.memory_space<hbm>>)
      tpu.yield
    }) : () -> ()
    "tpu.region"() ({
      %run_scoped3A = tpu.sem_alloc : memref<!tpu.dma_semaphore, #tpu.memory_space<semaphore_mem>>
      %dma_start3A = tpu.memref_slice %arg5[%add3A_51] : memref<8192xi32, #tpu.memory_space<hbm>> -> memref<256xi32, #tpu.memory_space<hbm>>
      %dma_start3A_52 = tpu.memref_slice %arg5[%add3A_51] : memref<8192xi32, #tpu.memory_space<hbm>> -> memref<256xi32, #tpu.memory_space<hbm>>
      tpu.enqueue_dma source(%arg13 : memref<256xi32, #tpu.memory_space<vmem>>) target(%dma_start3A_52 : memref<256xi32, #tpu.memory_space<hbm>>) target_semaphore(%run_scoped3A : memref<!tpu.dma_semaphore, #tpu.memory_space<semaphore_mem>>)
      %dma_wait3A = tpu.memref_slice %arg5[%add3A_51] : memref<8192xi32, #tpu.memory_space<hbm>> -> memref<256xi32, #tpu.memory_space<hbm>>
      %dma_wait3A_53 = tpu.memref_slice %arg5[%add3A_51] : memref<8192xi32, #tpu.memory_space<hbm>> -> memref<256xi32, #tpu.memory_space<hbm>>
      tpu.wait_dma2 semaphore(%run_scoped3A : memref<!tpu.dma_semaphore, #tpu.memory_space<semaphore_mem>>) src(%arg13 : memref<256xi32, #tpu.memory_space<vmem>>) dst(%dma_wait3A_53 : memref<256xi32, #tpu.memory_space<hbm>>)
      tpu.yield
    }) : () -> ()
    return
  }
}

</mosaic_0001>

<sc_bundles>
// kernel: _nn_sc.3.cloned.1.call-start
scs
__scs_entry_jumppad:
0x0: {  	(pc) =	sbr.rel $0x88, $3  }
0x1: {  	(tag) =	ssettag $0x0;
	lr =	simm.s32 $0x1  }
0x2: {  	[smem:$0x3F9F] =	sst lr;
	_ =	strace $0xD0000000  }
0x3: {  	_ = 	snop  }
0x4: {  	_ = 	snop  }
0x5: {  	_ = 	snop  }
0x6: {  	_ = 	snop  }
0x7: {  	_ = 	snop  }
__scs_overlays_trampoline_lowered:
0x8: {  	[smem:$0x3FAE] =	sst s0  }
0x9: {  	[smem:$0x3FAF] =	sst s1  }
0xa: {  	[smem:$0x3FB0] =	sst s2  }
0xb: {  	[smem:$0x3FB1] =	sst s3  }
0xc: {  	[smem:$0x3FB2] =	sst s4  }
0xd: {  	[smem:$0x3FB3] =	sst s5  }
0xe: {  	[smem:$0x3FB4] =	sst s6  }
0xf: {  	[smem:$0x3FB5] =	sst s7  }
0x10: {  	[smem:$0x3FB6] =	sst s8  }
0x11: {  	[smem:$0x3FB7] =	sst s9;
	s0 =	simm.s32 @!p0 $0x0  }
0x12: {  	s1 =	sld [smem:$0x3F9D];
	s0 =	simm.s32 @p0 $0x1  }
0x13: {  	[smem:$0x3FB8] =	sst s0;
	s0 =	simm.s32 @!p1 $0x0  }
0x14: {  	s2 =	sld [smem:$0x3F9C];
	s0 =	simm.s32 @p1 $0x1  }
0x15: {  	[smem:$0x3FB9] =	sst s0;
	s0 =	simm.s32 @!p2 $0x0  }
0x16: {  	s3 =	sld [smem:$0x3FDB];
	s0 =	simm.s32 @p2 $0x1  }
0x17: {  	s4 =	simm.s32 $0x1BF5;
	[smem:$0x3FBB] =	sst s0  }
0x18: {  	s0 =	sld [smem:$0x3F9E];
	_ =	swait.ge [sflag:s4], $0x0  }
0x19: {  	s7 =	sld [smem:$0x3F9F]  }
0x1a: {  	s8 =	sadd.s32 $0xFFFFE003, lr  }
0x1b: {  	s9 =	sadd.s32 $0xFFFFFEF7, lr;
	s5 =	simm.s32 $0xFFFFFFFF;
	p2 =	slt.u32 s8, $0xFFFFF086  }
0x1c: {  	p1 =	slt.u32 s9, $0xF7A;
	s5 =	simm.s32 @!p2 $0x0  }
0x1d: {  	s5 =	simm.s32 @p1 $0x1;
	p0 =	seq.s32 s7, s2  }
0x1e: {  	s7 =	smul.u32 @!p0 $0xF7A, s2;
	p2 =	seq.s32 @!p0 s5, $0x0  }
0x1f: {  	s9 =	smul.u32 $0xF7A, s1;
	s8 =	simm.s32 @!p0 $0x1BF5;
	p2 =	por !p2, p0  }
0x20: {  	[sflag:s8] =	ssyncset.s32 @!p0 $0xFFFFF086;
	s6 =	sadd.s32 @!p0 s3, s7;
	s7 =	simm.s32 @!p0 $0x108  }
0x21: {  	s3 =	sadd.s32 s3, s9;
	s6 =	sadd.s32 @!p0 $0x88, s6;
	s7 =	simm.s32 @p2 $0x1082  }
0x22: {  	[simem:s7], [sflag:s8] =	dma.local @!p0 [hbm:s6], $0xF7A  }
0x23: {  	s9 =	sor.u32 $0xD0000000, s2;
	s6 =	simm.s32 $0x108;
	_ =	swait.ge @!p0 [sflag:s8], $0x0  }
0x24: {  	s3 =	sadd.s32 $0x88, s3;
	s6 =	simm.s32 @!p1 $0x1082;
	[sflag:s4] =	ssyncset.s32 $0xFFFFF086  }
0x25: {  	[simem:s6], [sflag:s4] =	dma.local [hbm:s3], $0xF7A  }
0x26: {  	[smem:$0x3F9F] =	sst s1;
	(tag) =	ssettag s2;
	_ =	strace s9  }
0x27: {  	s1 =	sld [smem:$0x3FAF]  }
0x28: {  	s2 =	sld [smem:$0x3FB0]  }
0x29: {  	s4 =	sld [smem:$0x3FB2]  }
0x2a: {  	p0 =	seq.s32 s5, $0x0;
	s5 =	sld [smem:$0x3FB3]  }
0x2b: {  	s6 =	sld [smem:$0x3FB4]  }
0x2c: {  	s7 =	sld [smem:$0x3FB5]  }
0x2d: {  	s3 =	simm.s32 $0x108;
	s8 =	sld [smem:$0x3FB6]  }
0x2e: {  	s3 =	simm.s32 @!p0 $0x1082;
	s9 =	sld [smem:$0x3FB7]  }
0x2f: {  	lr =	sadd.s32 s0, s3;
	s0 =	sld [smem:$0x3FAE]  }
0x30: {  	s3 =	sld [smem:$0x3FB1]  }
0x31: {  	[smem:$0x3FBA] =	sst s10  }
0x32: {  	s10 =	sld [smem:$0x3FB8];
	_ =	sdelay $0x3  }
0x33: {  	p0 =	seq.s32 s10, $0x1;
	s10 =	sld [smem:$0x3FBA];
	_ =	sdelay $0x3  }
0x34: {  	[smem:$0x3FBA] =	sst s10  }
0x35: {  	s10 =	sld [smem:$0x3FB9];
	_ =	sdelay $0x3  }
0x36: {  	p1 =	seq.s32 s10, $0x1;
	s10 =	sld [smem:$0x3FBA];
	_ =	sdelay $0x3  }
0x37: {  	[smem:$0x3FBA] =	sst s10  }
0x38: {  	s10 =	sld [smem:$0x3FBB]  }
0x39: {  	_ = 	snop;
	(pc) =	sbr.ind lr, $3  }
0x3a: {  	_ = 	snop  }
0x3b: {  	_ = 	snop  }
0x3c: {  	p2 =	seq.s32 s10, $0x1;
	s10 =	sld [smem:$0x3FBA]  }
0x3d: {  	_ =	shalt  }
0x3e: {  	_ =	shalt  }
0x3f: {  	_ =	shalt  }
0x40: {  	_ =	shalt  }
0x41: {  	_ =	shalt  }
0x42: {  	_ =	shalt  }
0x43: {  	_ =	shalt  }
0x44: {  	_ =	shalt  }
0x45: {  	_ =	shalt  }
0x46: {  	_ =	shalt  }
0x47: {  	_ =	shalt  }
0x48: {  	_ =	shalt  }
0x49: {  	_ =	shalt  }
0x4a: {  	_ =	shalt  }
0x4b: {  	_ =	shalt  }
0x4c: {  	_ =	shalt  }
0x4d: {  	_ =	shalt  }
0x4e: {  	_ =	shalt  }
0x4f: {  	_ =	shalt  }
0x50: {  	_ =	shalt  }
0x51: {  	_ =	shalt  }
0x52: {  	_ =	shalt  }
0x53: {  	_ =	shalt  }
0x54: {  	_ =	shalt  }
0x55: {  	_ =	shalt  }
0x56: {  	_ =	shalt  }
0x57: {  	_ =	shalt  }
0x58: {  	_ =	shalt  }
0x59: {  	_ =	shalt  }
0x5a: {  	_ =	shalt  }
0x5b: {  	_ =	shalt  }
0x5c: {  	_ =	shalt  }
0x5d: {  	_ =	shalt  }
0x5e: {  	_ =	shalt  }
0x5f: {  	_ =	shalt  }
0x60: {  	_ =	shalt  }
0x61: {  	_ =	shalt  }
0x62: {  	_ =	shalt  }
0x63: {  	_ =	shalt  }
0x64: {  	_ =	shalt  }
0x65: {  	_ =	shalt  }
0x66: {  	_ =	shalt  }
0x67: {  	_ =	shalt  }
0x68: {  	_ =	shalt  }
0x69: {  	_ =	shalt  }
0x6a: {  	_ =	shalt  }
0x6b: {  	_ =	shalt  }
0x6c: {  	_ =	shalt  }
0x6d: {  	_ =	shalt  }
0x6e: {  	_ =	shalt  }
0x6f: {  	_ =	shalt  }
0x70: {  	_ =	shalt  }
0x71: {  	_ =	shalt  }
0x72: {  	_ =	shalt  }
0x73: {  	_ =	shalt  }
0x74: {  	_ =	shalt  }
0x75: {  	_ =	shalt  }
0x76: {  	_ =	shalt  }
0x77: {  	_ =	shalt  }
0x78: {  	_ =	shalt  }
0x79: {  	_ =	shalt  }
0x7a: {  	_ =	shalt  }
0x7b: {  	_ =	shalt  }
0x7c: {  	_ =	shalt  }
0x7d: {  	_ =	shalt  }
0x7e: {  	_ =	shalt  }
0x7f: {  	_ =	shalt  }
0x80: {  	_ =	shalt  }
0x81: {  	_ =	shalt  }
0x82: {  	_ =	shalt  }
0x83: {  	_ =	shalt  }
0x84: {  	_ =	shalt  }
0x85: {  	_ =	shalt  }
0x86: {  	_ =	shalt  }
0x87: {  	_ =	shalt  }
.Lfunc_end0:
.L_simem_size_0:
called_computation_lowered:
.L_overlay_start_0:
0x88: {  	s2 =	sld [smem:$0x3FD9]  }
0x89: {  	s3 =	sld [smem:$0x3FFE];
	_ =	sdelay $0x1  }
0x8a: {  	s1 =	srdreg.scid  }
0x8b: {  	s0 =	sand.u32 $0x1, s1  }
0x8c: {  	s14 =	sshll.u32 s0, $0xA;
	s2 =	sadd.s32 s3, s2  }
0x8d: {  	s2 =	sadd.s32 s2, s14  }
0x8e: {  	[smem:$0x3FC6] =	sst s2  }
0x8f: {  	_ = 	snop  }
0x90: {  	s2 =	sld [smem:$0x3FD0];
	_ =	sdelay $0x1  }
0x91: {  	s15 =	sld [smem:$0x3FC9]  }
0x92: {  	s5 =	simm.s32 $0xA;
	s6 =	simm.s32 $0x10;
	s4 =	sld [smem:$0x3FC8]  }
0x93: {  	[smem:s6], [sflag:s5] =	dma.local [hbm:s2], $0x1  }
0x94: {  	_ =	swait.eq [sflag:s5], $0x1  }
0x95: {  	[sflag:s5] =	ssyncset.done $0x0  }
0x96: {  	[sflag:s5] =	ssyncadd.s32 $0xFFFFFFFF  }
0x97: {  	s16 =	sld [smem:$0x11];
	(tm) =	ssettm $0x1  }
0x98: {  	s17 =	sld [smem:$0x3FFB];
	_ =	sdelay $0x3  }
0x99: {  	_ =	strace s17  }
0x9a: {  	s5 =	sld [smem:$0x3FFC];
	_ =	sdelay $0x3  }
0x9b: {  	_ =	strace s5  }
0x9c: {  	s5 =	sld [smem:$0x3FFD];
	_ =	sdelay $0x3  }
0x9d: {  	_ =	strace s5  }
0x9e: {  	_ =	strace $0x8FFFFFFF  }
0x9f: {  	s18 =	sld [smem:$0x3FDB];
	_ =	sdelay $0x1  }
0xa0: {  	s19 =	simm.s32 $_scs_section_size  }
0xa1: {  	s7 =	simm.s32 $_size__tile_overlayer_lowered;
	s8 =	simm.s32 $_tile_overlayer_lowered  }
0xa2: {  	s22 =	simm.s32 $0x1BFF;
	s21 =	sshll.u32 s8, $0x1;
	s5 =	sadd.s32 s19, s18  }
0xa3: {  	s9 =	simm.s32 $0x0;
	s20 =	sshll.u32 s7, $0x1;
	s7 =	sadd.s32 s21, s5  }
0xa4: {  	[timem:s9], [sflag:s22] =	dma.local [hbm:s7], s20  }
0xa5: {  	_ =	swait.ge [sflag:s22], s20  }
0xa6: {  	s6 =	ssub.s32 $0x0, s20;
	[sflag:s22] =	ssyncset.done $0x0  }
0xa7: {  	[sflag:s22] =	ssyncadd.s32 s6;
	_ =	sdelay $0x1  }
0xa8: {  	s23 =	simm.s32 $0x1B8B  }
0xa9: {  	_ =	swait.ge [sflag:s23], $0x1  }
0xaa: {  	[sflag:s23] =	ssyncset.done $0x0  }
0xab: {  	s25 =	simm.s32 $0x1B8E;
	s24 =	sld [smem:$0x3FFE];
	[sflag:s23] =	ssyncadd.s32 $0xFFFFFFFF  }
0xac: {  	s26 =	simm.s32 $execute0_lowered;
	[smem:$0x3FD2] =	sst s25  }
0xad: {  	s7 =	sshll.u32 s26, $0x1;
	_ =	strace $0x80000046;
	[dreg:$0x1] =	wrdreg $0xFFFFFFFF  }
0xae: {  	s28 =	simm.s32 $_size_execute0_lowered;
	s5 =	sadd.s32 s5, s7;
	[dreg:$0x0] =	wrdreg $0x0  }
0xaf: {  	s7 =	sshll.u32 s28, $0x1;
	[dreg:$0x2] =	wrdreg s5  }
0xb0: {  	[dreg:$0x3] =	wrdreg s7  }
0xb1: {  	[dreg:$0x4] =	wrdreg $0xC0  }
0xb2: {  	_ =	task [dreg:s9], $0x5FFFF  }
0xb3: {  	[dreg:$0x1] =	wrdreg $0xFFFFFFFF  }
0xb4: {  	[dreg:$0x0] =	wrdreg $0x60  }
0xb5: {  	[dreg:$0x2] =	wrdreg s15  }
0xb6: {  	[dreg:$0x3] =	wrdreg s4  }
0xb7: {  	[dreg:$0x4] =	wrdreg s16  }
0xb8: {  	[dreg:$0x5] =	wrdreg s24  }
0xb9: {  	[dreg:$0x6] =	wrdreg $0x9  }
0xba: {  	_ =	task.clear_ibuf [dreg:s9], $0x7FFFF;
	_ =	strace $0x90000046  }
0xbb: {  	s29 =	simm.s32 $0x9;
	_ =	strace $0x80000048  }
0xbc: {  	_ =	swait.ge [sflag:s29], $0x1  }
0xbd: {  	[sflag:s29] =	ssyncadd.s32 $0xFFFFFFFF  }
0xbe: {  	_ =	strace $0x90000048  }
0xbf: {  	_ =	sfence  }
0xc0: {  	s30 =	sld [smem:$0x0];
	_ =	sdelay $0x2  }
0xc1: {  	s31 =	sshll.u32 s1, $0xD;
	s1 =	sshrl.u32 s1, $0x2  }
0xc2: {  	s3 =	sand.u32 $0x4000, s31;
	s1 =	sadd.s32 s1, s30  }
0xc3: {  	s0 =	sor.u32 s3, s0;
	s1 =	sshll.u32 s1, $0x11  }
0xc4: {  	s0 =	sor.u32 s1, s0  }
0xc5: {  	s0 =	sadd.s32 $0x8F2B, s0  }
0xc6: {  	[sflag:s0] =	ssyncadd.remote.s32 $0x1  }
0xc7: {  	_ =	sfence.sel $0xFFFF  }
0xc8: {  	[dreg:$0x0] =	wrdreg $0xFFFFFFFF;
	(pc) =	sbr.abs _section_cstart, $3  }
0xc9: {  	[dreg:$0x1] =	wrdreg $0xFFFFFFFF  }
0xca: {  	_ =	task.clear_ibuf [dreg:s9], $0x2FFFF;
	_ =	strace $0x9FFFFFFF  }
0xcb: {  	(tm) =	ssettm $0x7FFFFFFF  }
tec
execute0_lowered:
.L_overlay_start_1:
0x0: {  	(tag) =	ssettag $0x1  }
0x1: {  	s5 =	rddreg [dreg:$0x0]  }
0x2: {  	s3 =	rddreg [dreg:$0x1]  }
0x3: {  	s0 =	stileid.u32;
	s9 =	rddreg [dreg:$0x2]  }
0x4: {  	s1 =	srdreg.scid;
	s7 =	rddreg [dreg:$0x3]  }
0x5: {  	s13 =	simm.s32 $0x800;
	s14 =	simm.s32 $0x1000;
	s15 =	simm.s32 $0x1800  }
0x6: {  	s16 =	simm.s32 $0x1900;
	s17 =	simm.s32 $0x1A00;
	s18 =	simm.s32 $0x1B00  }
0x7: {  	s19 =	simm.s32 $0x1C00;
	s20 =	simm.s32 $0x0;
	s2 =	sshll.u32 s0, $0x1  }
0x8: {  	s4 =	sand.u32 $0x1, s1;
	s6 =	sshrl.u32 s0, $0x2;
	s28 =	sand.u32 $0x6, s2  }
0x9: {  	s10 =	sshll.u32 s6, $0xB;
	s2 =	simm.s32 $0x0;
	s6 =	smul.u32 $0x1800, s6  }
0xa: {  	s1 =	sor.u32 s4, s28;
	[smem:$0x7FF] =	sst s2;
	s4 =	ssub.s32 $0x2, s4  }
0xb: {  	s8 =	sshll.u32 s1, $0x8;
	s1 =	rddreg [dreg:$0x4];
	_ =	strace $0x80000047  }
0xc: {  	s30 =	sshrl.u32 s4, $0x1;
	s10 =	sor.u32 s10, s8;
	s29 =	sor.u32 s6, s8  }
0xd: {  	v63 =	vimm.s32 $0x0;
	s6 =	sshrl.u32 s6, $0x3;
	s12 =	ssub.s32 s4, s30;
	s10 =	sshrl.u32 s10, $0x3  }
0xe: {  	v0 =	vimm.s32 $0x2;
	v1 =	vimm.s32 $0x4;
	v2 =	vimm.s32 $0x5;
	s3 =	sadd.s32 s3, s6;
	s31 =	sshrl.u32 s29, $0x3;
	s11 =	sadd.s32 s10, s7  }
0xf: {  	v3 =	vimm.s32 $0x6;
	v4 =	vimm.s32 $0x7;
	v6 =	vimm.s32 $0x9;
	s4 =	sadd.s32 $0x100, s3;
	s5 =	sadd.s32 s5, s31;
	s6 =	sadd.s32 $0x200, s3  }
0x10: {  	v8 =	vimm.s32 $0xA;
	v5 =	vimm.s32 $0xB;
	v7 =	vimm.s32 $0xC;
	s9 =	sadd.s32 s9, s10;
	s7 =	sadd.s32 $0x100, s5;
	s8 =	sadd.s32 $0x200, s5  }
0x11: {  	v9 =	vimm.s32 $0xD;
	v10 =	vimm.s32 $0xE;
	v11 =	vimm.s32 $0xF;
	s10 =	sadd.s32 $0xA00, s11;
	s11 =	smax.u32 s12, $0x1;
	s12 =	simm.s32 $0x1  }
.LBB2_1:
0x12: {  	[tilespmem:s2], [sflag:$0x1] =	stream.linear.gather [hbm4b:s3+s2], $0x800, $0x38;
	[tilespmem:$0x1D00] =	vst v63  }
0x13: {  	_ =	swait.ge [sflag:s12], $0x800  }
0x14: {  	[sflag:s12] =	ssyncset.done $0x0  }
0x15: {  	[sflag:s12] =	ssyncadd.s32 $0xFFFFF800  }
0x16: {  	[tilespmem:s13], [sflag:$0x1] =	stream.linear.gather [hbm4b:s4+s2], $0x800, $0x38;
	[tilespmem:$0x1D00] =	vst v63  }
0x17: {  	_ =	swait.ge [sflag:s12], $0x800  }
0x18: {  	[sflag:s12] =	ssyncset.done $0x0  }
0x19: {  	[sflag:s12] =	ssyncadd.s32 $0xFFFFF800  }
0x1a: {  	[tilespmem:s14], [sflag:$0x1] =	stream.linear.gather [hbm4b:s6+s2], $0x800, $0x38;
	[tilespmem:$0x1D00] =	vst v63  }
0x1b: {  	_ =	swait.ge [sflag:s12], $0x800  }
0x1c: {  	[sflag:s12] =	ssyncset.done $0x0  }
0x1d: {  	[sflag:s12] =	ssyncadd.s32 $0xFFFFF800  }
0x1e: {  	[tilespmem:s15], [sflag:$0x1] =	stream.linear.gather [hbm4b:s5+s2], $0x100, $0x38;
	[tilespmem:$0x1D00] =	vst v63  }
0x1f: {  	_ =	swait.ge [sflag:s12], $0x100  }
0x20: {  	[sflag:s12] =	ssyncset.done $0x0  }
0x21: {  	[sflag:s12] =	ssyncadd.s32 $0xFFFFFF00  }
0x22: {  	[tilespmem:s16], [sflag:$0x1] =	stream.linear.gather [hbm4b:s7+s2], $0x100, $0x38;
	[tilespmem:$0x1D00] =	vst v63  }
0x23: {  	_ =	swait.ge [sflag:s12], $0x100  }
0x24: {  	[sflag:s12] =	ssyncset.done $0x0  }
0x25: {  	[sflag:s12] =	ssyncadd.s32 $0xFFFFFF00  }
0x26: {  	[tilespmem:s17], [sflag:$0x1] =	stream.linear.gather [hbm4b:s8+s2], $0x100, $0x38;
	[tilespmem:$0x1D00] =	vst v63  }
0x27: {  	_ =	swait.ge [sflag:s12], $0x100  }
0x28: {  	[sflag:s12] =	ssyncset.done $0x0  }
0x29: {  	s21 =	simm.s32 $0x0;
	[sflag:s12] =	ssyncadd.s32 $0xFFFFFF00  }
.LBB2_2:
0x2a: {  	s22 =	simm.s32 $0x1000  }
0x2b: {  	s23 =	simm.s32 $0x0;
	v17 =	vld [tilespmem:s22+$0x0]  }
0x2c: {  	s31 =	simm.s32 $0x800;
	v16 =	vld [tilespmem:s23+$0x0]  }
0x2d: {  	v18 =	vld [tilespmem:s31+$0x0];
	_ =	sdelay $0x3  }
0x2e: {  	v33 =	vperm.xlane v17, v9;
	v23 =	vperm.xlane v16, v11  }
0x2f: {  	v26 =	vperm.xlane v18, v11;
	v34 =	vperm.xlane v17, v7  }
0x30: {  	v27 =	vperm.xlane v16, v10;
	v35 =	vperm.xlane v17, v5  }
0x31: {  	v28 =	vperm.xlane v18, v10;
	v37 =	vperm.xlane v16, v9  }
0x32: {  	v29 =	vperm.xlane v18, v9;
	v30 =	vperm.xlane v16, v7  }
0x33: {  	v61 =	vimm.s32 $0xB;
	v38 =	vperm.xlane v17, v6;
	v31 =	vperm.xlane v18, v7  }
0x34: {  	v62 =	vimm.s32 $0xA;
	s22 =	sshll.u32 s21, $0x5;
	v36 =	vperm.xlane v16, v61;
	v40 =	vperm.xlane v18, v61  }
0x35: {  	v12 =	vimm.s32 $0x8;
	v19 =	vld [tilespmem:s22+$0x1A10];
	v9 =	vperm.xlane v16, v8;
	v8 =	vperm.xlane v18, v62  }
0x36: {  	v20 =	vld [tilespmem:s22+$0x1810];
	v10 =	vimm.s32 $0x9;
	v11 =	vperm.xlane v16, v12;
	v22 =	vperm.xlane v17, v2  }
0x37: {  	v21 =	vld [tilespmem:s22+$0x1910];
	v2 =	vimm.s32 $0x5;
	v12 =	vperm.xlane v18, v12;
	v24 =	vperm.xlane v16, v4  }
0x38: {  	v7 =	vimm.s32 $0x7;
	v15 =	vperm.xlane v16, v3;
	v6 =	vimm.s32 $0x6  }
0x39: {  	v4 =	vperm.xlane v16, v1;
	v1 =	vimm.s32 $0x4;
	v5 =	vimm.s32 $0x2  }
0x3a: {  	v39 =	vperm.xlane v16, v10;
	v10 =	vperm.xlane v18, v10;
	v32 =	vsub.f32 v19, v33  }
0x3b: {  	v13 =	vperm.xlane v18, v7;
	v41 =	vsub.f32 v20, v23;
	v42 =	vsub.f32 v19, v34  }
0x3c: {  	v14 =	vperm.xlane v18, v6;
	v43 =	vsub.f32 v21, v26;
	v44 =	vsub.f32 v20, v27  }
0x3d: {  	v25 =	vperm.xlane v16, v2;
	v45 =	vsub.f32 v21, v28;
	v47 =	vsub.f32 v19, v35  }
0x3e: {  	[tilespmem:$0x1FCE0] =	vst v26;
	v26 =	vperm.xlane v18, v2;
	v46 =	vsub.f32 v20, v37;
	v48 =	vsub.f32 v21, v29  }
0x3f: {  	[tilespmem:$0x1FCC0] =	vst v27;
	v27 =	vperm.xlane v18, v1;
	v49 =	vsub.f32 v20, v30;
	v50 =	vsub.f32 v21, v31  }
0x40: {  	[tilespmem:$0x1FCD0] =	vst v28;
	v1 =	vimm.s32 $0x3;
	v51 =	vsub.f32 v20, v36;
	v52 =	vsub.f32 v21, v40  }
0x41: {  	[tilespmem:$0x1FC90] =	vst v30;
	v53 =	vsub.f32 v20, v9;
	v54 =	vsub.f32 v21, v8;
	v30 =	vperm.xlane v16, v0  }
0x42: {  	[tilespmem:$0x1FCA0] =	vst v31;
	v31 =	vperm.xlane v18, v0;
	v57 =	vsub.f32 v20, v11;
	v58 =	vsub.f32 v21, v12  }
0x43: {  	[tilespmem:$0x1FC80] =	vst v40;
	v40 =	vperm.xlane v16, v63;
	v59 =	vsub.f32 v20, v24;
	v61 =	vsub.f32 v20, v15  }
0x44: {  	[tilespmem:$0x1FCB0] =	vst v29;
	v2 =	vimm.s32 $0x0;
	v28 =	vperm.xlane v16, v1;
	v29 =	vperm.xlane v18, v1  }
0x45: {  	v55 =	vsub.f32 v20, v39;
	v56 =	vsub.f32 v21, v10;
	v44 =	vmul.f32 v44, v44  }
0x46: {  	v60 =	vsub.f32 v21, v13;
	v45 =	vmul.f32 v45, v45;
	v41 =	vmul.f32 v41, v41  }
0x47: {  	v62 =	vsub.f32 v21, v14;
	v43 =	vmul.f32 v43, v43;
	v46 =	vmul.f32 v46, v46  }
0x48: {  	v63 =	vsub.f32 v20, v25;
	v48 =	vmul.f32 v48, v48;
	v59 =	vmul.f32 v59, v59  }
0x49: {  	v0 =	vsub.f32 v21, v26;
	v32 =	vmul.f32 v32, v32;
	v47 =	vmul.f32 v47, v47  }
0x4a: {  	v42 =	vmul.f32 v42, v42;
	v60 =	vmul.f32 v60, v60;
	v44 =	vadd.f32 v45, v44  }
0x4b: {  	v45 =	vmul.f32 v49, v49;
	v49 =	vmul.f32 v50, v50;
	v43 =	vadd.f32 v43, v41  }
0x4c: {  	v41 =	vsub.f32 v20, v4;
	v50 =	vmul.f32 v53, v53;
	v53 =	vmul.f32 v54, v54  }
0x4d: {  	v1 =	vadd.f32 v48, v46;
	v46 =	vmul.f32 v52, v52;
	v48 =	vmul.f32 v57, v57  }
0x4e: {  	v54 =	vsub.f32 v21, v27;
	v52 =	vmul.f32 v58, v58;
	v58 =	vmul.f32 v62, v62  }
0x4f: {  	v62 =	vimm.s32 $0x1;
	v0 =	vmul.f32 v0, v0;
	v59 =	vadd.f32 v60, v59  }
0x50: {  	v49 =	vadd.f32 v49, v45;
	v45 =	vmul.f32 v51, v51;
	v51 =	vsub.f32 v20, v28  }
0x51: {  	v3 =	vadd.f32 v53, v50;
	v50 =	vsub.f32 v21, v29;
	v53 =	vmul.f32 v55, v55  }
0x52: {  	v55 =	vmul.f32 v56, v56;
	v57 =	vadd.f32 v52, v48;
	v48 =	vmul.f32 v61, v61  }
0x53: {  	v52 =	vsub.f32 v20, v30;
	v41 =	vmul.f32 v41, v41;
	v54 =	vmul.f32 v54, v54  }
0x54: {  	v61 =	vmul.f32 v63, v63;
	v63 =	vimm.s32 $0x1;
	v1 =	vadd.f32 v32, v1  }
0x55: {  	v56 =	vadd.f32 v46, v45;
	v45 =	vperm.xlane v18, v2;
	v55 =	vadd.f32 v55, v53  }
0x56: {  	v53 =	vsub.f32 v21, v31;
	v46 =	vperm.xlane v16, v62;
	v16 =	vadd.f32 v58, v48  }
0x57: {  	v58 =	vsub.f32 v20, v40;
	v48 =	vperm.xlane v18, v62;
	v18 =	vadd.f32 v54, v41  }
0x58: {  	v52 =	vmul.f32 v52, v52;
	v0 =	vadd.f32 v0, v61;
	v61 =	vmul.f32 v51, v51  }
0x59: {  	v50 =	vmul.f32 v50, v50;
	v51 =	vperm.xlane v17, v2;
	v2 =	vimm.s32 $0x4  }
0x5a: {  	v60 =	vsub.f32 v21, v45;
	v41 =	vsub.f32 v20, v46;
	v53 =	vmul.f32 v53, v53  }
0x5b: {  	v54 =	vsub.f32 v21, v48;
	v58 =	vmul.f32 v58, v58;
	v61 =	vadd.f32 v50, v61  }
0x5c: {  	v50 =	vperm.xlane v17, v63;
	v56 =	vadd.f32 v47, v56;
	v32 =	vsub.f32 v19, v51  }
0x5d: {  	v60 =	vmul.f32 v60, v60;
	v62 =	vadd.f32 v53, v52;
	v41 =	vmul.f32 v41, v41  }
0x5e: {  	v63 =	vmul.f32 v54, v54;
	v52 =	vsub.f32 v19, v22;
	v53 =	vperm.xlane v17, v5  }
0x5f: {  	v32 =	vmul.f32 v32, v32;
	v54 =	vadd.f32 v60, v58;
	v60 =	vsub.f32 v19, v38  }
0x60: {  	v41 =	vadd.f32 v63, v41;
	v63 =	vsub.f32 v19, v50;
	v47 =	vmul.f32 v52, v52  }
0x61: {  	v5 =	vsub.f32 v19, v53;
	v58 =	vmul.f32 v60, v60;
	v60 =	vadd.f32 v42, v49  }
0x62: {  	v49 =	vperm.xlane v17, v2;
	v2 =	vimm.s32 $0x3;
	v42 =	vmul.f32 v63, v63  }
0x63: {  	v0 =	vadd.f32 v47, v0;
	v47 =	vmul.f32 v5, v5;
	v52 =	vperm.xlane v17, v2  }
0x64: {  	v32 =	vadd.f32 v32, v54;
	v54 =	vperm.xlane v17, v7;
	v55 =	vadd.f32 v58, v55  }
0x65: {  	v2 =	vimm.s32 $0xA;
	v63 =	vsub.f32 v19, v49;
	v5 =	vsub.f32 v19, v52  }
0x66: {  	v41 =	vadd.f32 v42, v41;
	v47 =	vadd.f32 v47, v62;
	v58 =	vperm.xlane v17, v6  }
0x67: {  	v62 =	vperm.xlane v17, v2;
	v2 =	vimm.s32 $0x8;
	v5 =	vmul.f32 v5, v5  }
0x68: {  	v42 =	vmul.f32 v63, v63;
	v63 =	vimm.s32 $0x0;
	vm0 =	vlt.f32 v41, v32  }
0x69: {  	v32 =	vmin.f32 v32, v41;
	v5 =	vadd.f32 v5, v61;
	v61 =	vsub.f32 v19, v58  }
0x6a: {  	vm1 =	vlt.f32 v47, v32;
	v32 =	vmin.f32 v32, v47;
	v47 =	vsub.f32 v19, v62  }
0x6b: {  	v18 =	vadd.f32 v42, v18;
	v42 =	vmul.f32 v61, v61;
	vm2 =	vlt.f32 v5, v32  }
0x6c: {  	v32 =	vmin.f32 v32, v5;
	v61 =	vperm.xlane v17, v2;
	v5 =	vsub.f32 v19, v54  }
0x6d: {  	v47 =	vmul.f32 v47, v47;
	vm3 =	vlt.f32 v18, v32;
	v18 =	vmin.f32 v32, v18  }
0x6e: {  	v42 =	vadd.f32 v42, v16;
	v32 =	vmul.f32 v5, v5;
	v16 =	vld [tilespmem:s22+$0x1A00];
	v5 =	vsub.f32 v19, v61  }
0x6f: {  	v2 =	vadd.f32 v47, v3;
	vm4 =	vlt.f32 v0, v18;
	v0 =	vmin.f32 v18, v0;
	v18 =	vld [tilespmem:s22+$0x1800]  }
0x70: {  	v47 =	vsel vm0, $0x1, v63;
	v3 =	vimm.s32 $0xF;
	v41 =	vmul.f32 v5, v5  }
0x71: {  	v32 =	vadd.f32 v32, v59;
	vm5 =	vlt.f32 v42, v0;
	v59 =	vperm.xlane v17, v3  }
0x72: {  	v0 =	vmin.f32 v0, v42;
	v42 =	vsel vm1, $0x2, v47;
	v57 =	vadd.f32 v41, v57  }
0x73: {  	vm15 =	vlt.f32 v32, v0;
	v0 =	vmin.f32 v0, v32;
	v32 =	vsub.f32 v16, v59  }
0x74: {  	v47 =	vsel vm2, $0x3, v42;
	v41 =	vsub.f32 v16, v33;
	v42 =	vsub.f32 v18, v23  }
0x75: {  	v3 =	vimm.s32 $0xE;
	v34 =	vsub.f32 v16, v34;
	v35 =	vsub.f32 v16, v35  }
0x76: {  	v23 =	vsel vm3, $0x4, v47;
	v37 =	vsub.f32 v18, v37;
	v47 =	vsub.f32 v16, v62  }
0x77: {  	v17 =	vperm.xlane v17, v3;
	v38 =	vsub.f32 v16, v38;
	v36 =	vsub.f32 v18, v36  }
0x78: {  	v54 =	vsub.f32 v16, v54;
	v39 =	vsub.f32 v18, v39  }
0x79: {  	v58 =	vsub.f32 v16, v58;
	v5 =	vsub.f32 v19, v17  }
0x7a: {  	v59 =	vsub.f32 v19, v59;
	v24 =	vsub.f32 v18, v24  }
0x7b: {  	v62 =	vimm.f32 $+Inf;
	v40 =	vsub.f32 v18, v40;
	v30 =	vsub.f32 v18, v30  }
0x7c: {  	v33 =	vimm.s32 $0x0;
	v51 =	vsub.f32 v16, v51;
	v28 =	vsub.f32 v18, v28  }
0x7d: {  	v25 =	vsub.f32 v18, v25;
	v15 =	vsub.f32 v18, v15;
	v23 =	vsel vm4, $0x5, v23  }
0x7e: {  	vm4 =	vlt.f32 v57, v0;
	v0 =	vmin.f32 v0, v57;
	v23 =	vsel vm5, $0x6, v23  }
0x7f: {  	vm5 =	vlt.f32 v55, v0;
	v0 =	vmin.f32 v0, v55;
	v55 =	vmul.f32 v5, v5  }
0x80: {  	v11 =	vsub.f32 v18, v11;
	v59 =	vmul.f32 v59, v59;
	v30 =	vmul.f32 v30, v30  }
0x81: {  	v9 =	vsub.f32 v18, v9;
	v28 =	vmul.f32 v28, v28;
	v25 =	vmul.f32 v25, v25  }
0x82: {  	v57 =	vsub.f32 v16, v61;
	v15 =	vmul.f32 v15, v15;
	v24 =	vmul.f32 v24, v24  }
0x83: {  	v11 =	vmul.f32 v11, v11;
	v9 =	vmul.f32 v9, v9;
	v23 =	vsel vm15, $0x7, v23  }
0x84: {  	vm6 =	vlt.f32 v2, v0;
	v0 =	vmin.f32 v0, v2;
	v23 =	vsel vm4, $0x8, v23  }
0x85: {  	v2 =	vsub.f32 v16, v22;
	vm7 =	vlt.f32 v56, v0;
	v22 =	vsel vm5, $0x9, v23  }
0x86: {  	v0 =	vmin.f32 v0, v56;
	v44 =	vadd.f32 v55, v44;
	v23 =	vsel vm6, $0xA, v22  }
0x87: {  	vm8 =	vlt.f32 v60, v0;
	v0 =	vmin.f32 v0, v60;
	v22 =	vld [tilespmem:s22+$0x1900];
	v23 =	vsel vm7, $0xB, v23  }
0x88: {  	v55 =	vsub.f32 v16, v50;
	vm9 =	vlt.f32 v1, v0;
	v23 =	vsel vm8, $0xC, v23  }
0x89: {  	v0 =	vmin.f32 v0, v1;
	v1 =	vsel vm9, $0xD, v23;
	v23 =	vadd.f32 v59, v43  }
0x8a: {  	v56 =	vsub.f32 v16, v53;
	vm10 =	vlt.f32 v44, v0;
	v0 =	vmin.f32 v0, v44  }
0x8b: {  	v53 =	vimm.s32 $0xF;
	v60 =	vsub.f32 v16, v52;
	vm11 =	vlt.f32 v23, v0  }
0x8c: {  	v3 =	vmin.f32 v0, v23;
	v0 =	vsub.f32 v22, v45;
	v23 =	vsub.f32 v18, v46  }
0x8d: {  	v2 =	vmul.f32 v2, v2;
	v48 =	vsub.f32 v22, v48;
	v31 =	vsub.f32 v22, v31  }
0x8e: {  	v61 =	vmul.f32 v60, v60;
	v29 =	vsub.f32 v22, v29;
	v27 =	vsub.f32 v22, v27  }
0x8f: {  	v60 =	vimm.s32 $0x4;
	v26 =	vsub.f32 v22, v26;
	v14 =	vsub.f32 v22, v14  }
0x90: {  	v44 =	vld [tilespmem:$0x1FC80];
	v59 =	vmul.f32 v56, v56;
	v13 =	vsub.f32 v22, v13;
	v12 =	vsub.f32 v22, v12  }
0x91: {  	v1 =	vsel vm10, $0xE, v1;
	v10 =	vsub.f32 v22, v10;
	v8 =	vsub.f32 v22, v8  }
0x92: {  	v1 =	vsel vm11, $0xF, v1;
	v0 =	vmul.f32 v0, v0;
	v23 =	vmul.f32 v23, v23  }
0x93: {  	vm0 =	vlt.f32 v3, v62;
	v43 =	vmul.f32 v48, v48;
	v31 =	vmul.f32 v31, v31  }
0x94: {  	[tilespmem:$0x1FC60] =	vst v3;
	v3 =	vsub.f32 v18, v4;
	v29 =	vmul.f32 v29, v29;
	v27 =	vmul.f32 v27, v27  }
0x95: {  	v7 =	vsub.f32 v22, v44;
	v26 =	vmul.f32 v26, v26;
	v14 =	vmul.f32 v14, v14  }
0x96: {  	v1 =	vsel vm0, v1, v33;
	v12 =	vmul.f32 v12, v12;
	v8 =	vmul.f32 v8, v8  }
0x97: {  	v45 =	vld [tilespmem:$0x1FC90];
	[tilespmem:$0x1FC70] =	vst v1;
	v1 =	vmul.f32 v40, v40;
	v40 =	vmul.f32 v51, v51;
	v23 =	vadd.f32 v43, v23  }
0x98: {  	v3 =	vmul.f32 v3, v3;
	v30 =	vadd.f32 v31, v30;
	v31 =	vsub.f32 v16, v49  }
0x99: {  	v7 =	vmul.f32 v7, v7;
	v25 =	vadd.f32 v26, v25;
	v11 =	vadd.f32 v12, v11  }
0x9a: {  	v48 =	vld [tilespmem:$0x1FCA0];
	v12 =	vmul.f32 v57, v57;
	v8 =	vadd.f32 v8, v9;
	v9 =	vmul.f32 v47, v47  }
0x9b: {  	v0 =	vadd.f32 v0, v1;
	v1 =	vmul.f32 v55, v55;
	v3 =	vadd.f32 v27, v3  }
0x9c: {  	v46 =	vsub.f32 v18, v45;
	v55 =	vsel vm0, s23, v33;
	v2 =	vadd.f32 v2, v25  }
0x9d: {  	v27 =	vmul.f32 v31, v31;
	v0 =	vadd.f32 v40, v0;
	v1 =	vadd.f32 v1, v23  }
0x9e: {  	v49 =	vld [tilespmem:$0x1FCB0];
	v25 =	vmul.f32 v39, v39;
	v23 =	vadd.f32 v29, v28;
	v28 =	vadd.f32 v59, v30  }
0x9f: {  	v6 =	vsub.f32 v22, v48;
	v5 =	vmul.f32 v46, v46;
	v30 =	vimm.s32 $0x6  }
0xa0: {  	v40 =	vimm.s32 $0x8;
	v3 =	vadd.f32 v27, v3;
	v27 =	vimm.s32 $0x8  }
0xa1: {  	v29 =	vmin.f32 v0, v1;
	v23 =	vadd.f32 v61, v23;
	vm12 =	vlt.f32 v1, v0  }
0xa2: {  	v1 =	vmul.f32 v13, v13;
	v13 =	vadd.f32 v14, v15;
	v14 =	vmul.f32 v58, v58  }
0xa3: {  	v4 =	vsub.f32 v22, v49;
	v6 =	vmul.f32 v6, v6;
	v61 =	vimm.s32 $0x3  }
0xa4: {  	v0 =	vmin.f32 v29, v28;
	v15 =	vsel vm12, $0x1, v63;
	vm13 =	vlt.f32 v28, v29  }
0xa5: {  	v28 =	vimm.s32 $0x7;
	v26 =	vmin.f32 v0, v23;
	v1 =	vadd.f32 v1, v24  }
0xa6: {  	v24 =	vmul.f32 v54, v54;
	v15 =	vsel vm13, $0x2, v15;
	vm14 =	vlt.f32 v23, v0  }
0xa7: {  	v0 =	vmul.f32 v10, v10;
	v13 =	vadd.f32 v14, v13;
	v23 =	vmul.f32 v36, v36  }
0xa8: {  	v4 =	vmul.f32 v4, v4;
	v5 =	vadd.f32 v6, v5;
	v6 =	vmul.f32 v34, v34  }
0xa9: {  	v54 =	vimm.s32 $0xF;
	v10 =	vmin.f32 v26, v3;
	v14 =	vsel vm14, $0x3, v15  }
0xaa: {  	vm15 =	vlt.f32 v3, v26;
	v15 =	vmul.f32 v38, v38;
	v26 =	vimm.s32 $0xA  }
0xab: {  	v3 =	vmin.f32 v10, v2;
	v1 =	vadd.f32 v24, v1;
	v0 =	vadd.f32 v0, v25  }
0xac: {  	v14 =	vsel vm15, $0x4, v14;
	vm4 =	vlt.f32 v2, v10;
	v10 =	vadd.f32 v12, v11  }
0xad: {  	v7 =	vadd.f32 v7, v23;
	v25 =	vimm.s32 $0x9;
	v2 =	vmin.f32 v3, v13  }
0xae: {  	v14 =	vsel vm4, $0x5, v14;
	vm5 =	vlt.f32 v13, v3;
	v13 =	vmul.f32 v35, v35  }
0xaf: {  	v11 =	vld [tilespmem:$0x1FCC0];
	v35 =	vimm.s32 $0x9;
	v3 =	vmin.f32 v2, v1;
	v0 =	vadd.f32 v15, v0  }
0xb0: {  	v12 =	vld [tilespmem:$0x1FCD0];
	v15 =	vmul.f32 v37, v37;
	v14 =	vsel vm5, $0x6, v14;
	vm6 =	vlt.f32 v1, v2  }
0xb1: {  	v23 =	vld [tilespmem:$0x1FCE0];
	v2 =	vadd.f32 v9, v8;
	v8 =	vsub.f32 v16, v17;
	v17 =	vimm.s32 $0xC  }
0xb2: {  	v37 =	vimm.s32 $0x7;
	v1 =	vmin.f32 v3, v10;
	vm7 =	vlt.f32 v10, v3  }
0xb3: {  	v7 =	vadd.f32 v13, v7;
	v10 =	vmul.f32 v41, v41;
	v13 =	vmul.f32 v42, v42  }
0xb4: {  	v3 =	vmin.f32 v1, v0;
	v4 =	vadd.f32 v4, v15;
	vm8 =	vlt.f32 v0, v1  }
0xb5: {  	v1 =	vadd.f32 v6, v5;
	v8 =	vmul.f32 v8, v8;
	v11 =	vsub.f32 v18, v11  }
0xb6: {  	v12 =	vsub.f32 v22, v12;
	v23 =	vsub.f32 v22, v23;
	v0 =	vmin.f32 v3, v2  }
0xb7: {  	vm9 =	vlt.f32 v2, v3;
	v2 =	vmin.f32 v0, v7;
	v3 =	vadd.f32 v10, v4  }
0xb8: {  	vm10 =	vlt.f32 v7, v0;
	v9 =	vmul.f32 v11, v11;
	v11 =	vmul.f32 v12, v12  }
0xb9: {  	s25 =	simm.s32 $0x1010;
	v12 =	vsel vm6, $0x7, v14;
	v14 =	vmul.f32 v23, v23;
	v0 =	vmin.f32 v2, v1  }
0xba: {  	v7 =	vld [tilespmem:s25+$0x0];
	vm11 =	vlt.f32 v1, v2;
	v23 =	vimm.s32 $0xA;
	v12 =	vsel vm7, $0x8, v12  }
0xbb: {  	s26 =	simm.s32 $0x10;
	v1 =	vmin.f32 v0, v3;
	vm12 =	vlt.f32 v3, v0;
	v50 =	vsel vm8, $0x9, v12  }
0xbc: {  	v2 =	vld [tilespmem:s26+$0x0];
	v6 =	vadd.f32 v11, v9;
	v52 =	vadd.f32 v14, v13;
	v9 =	vmul.f32 v32, v32  }
0xbd: {  	v11 =	vimm.s32 $0xC;
	v13 =	vimm.s32 $0xB;
	v51 =	vsel vm9, $0xA, v50  }
0xbe: {  	v50 =	vimm.s32 $0x6;
	v6 =	vadd.f32 v8, v6;
	v4 =	vsel vm10, $0xB, v51  }
0xbf: {  	v0 =	vadd.f32 v9, v52;
	v56 =	vperm.xlane v7, v11;
	v58 =	vperm.xlane v7, v13  }
0xc0: {  	v8 =	vimm.s32 $0xD;
	v49 =	vperm.xlane v7, v60;
	v52 =	vperm.xlane v7, v61  }
0xc1: {  	s28 =	simm.s32 $0x810;
	v9 =	vimm.s32 $0xE;
	v59 =	vperm.xlane v2, v11;
	v42 =	vperm.xlane v2, v23  }
0xc2: {  	v14 =	vld [tilespmem:s28+$0x0];
	v51 =	vimm.s32 $0x4;
	v45 =	vperm.xlane v2, v27;
	v46 =	vperm.xlane v2, v30  }
0xc3: {  	v4 =	vsel vm11, $0xC, v4;
	v48 =	vperm.xlane v2, v60;
	v60 =	vperm.xlane v2, v63  }
0xc4: {  	v3 =	vsel vm12, $0xD, v4;
	vm13 =	vlt.f32 v6, v1;
	v1 =	vmin.f32 v1, v6  }
0xc5: {  	[tilespmem:$0x1FEB0] =	vst v16;
	v6 =	vimm.s32 $0xE;
	v11 =	vsub.f32 v16, v58;
	v31 =	vsub.f32 v19, v56  }
0xc6: {  	[tilespmem:$0x1FD30] =	vst v55;
	v32 =	vsub.f32 v19, v58;
	v3 =	vsel vm13, $0xE, v3;
	vm14 =	vlt.f32 v0, v1  }
0xc7: {  	[tilespmem:$0x1FF80] =	vst v49;
	v0 =	vmin.f32 v1, v0;
	v10 =	vperm.xlane v7, v6;
	v12 =	vperm.xlane v14, v54  }
0xc8: {  	[tilespmem:$0x1FFA0] =	vst v52;
	v24 =	vperm.xlane v2, v6;
	v15 =	vperm.xlane v14, v9;
	v9 =	vimm.s32 $0xD  }
0xc9: {  	v43 =	vperm.xlane v14, v26;
	v26 =	vperm.xlane v7, v30;
	[tilespmem:$0x1FE30] =	vst v59;
	v1 =	vsel vm14, $0xF, v3  }
0xca: {  	vm15 =	vlt.f32 v0, v62;
	v3 =	vimm.f32 $+Inf;
	v0 =	vmin.f32 v62, v0;
	[tilespmem:$0x1FD80] =	vst v11  }
0xcb: {  	v29 =	vperm.xlane v14, v9;
	v9 =	vsub.f32 v16, v56;
	v11 =	vperm.xlane v2, v13;
	[tilespmem:$0x1FCF0] =	vst v3  }
0xcc: {  	v62 =	vimm.s32 $0x2;
	v56 =	vperm.xlane v2, v61;
	[tilespmem:$0x1FD00] =	vst v0;
	v3 =	vsel vm15, s23, v33  }
0xcd: {  	v0 =	vperm.xlane v7, v53;
	v1 =	vsel vm15, v1, v33;
	v33 =	vperm.xlane v14, v17;
	[tilespmem:$0x1FD10] =	vst v3  }
0xce: {  	v17 =	vimm.s32 $0xB;
	v55 =	vperm.xlane v7, v62;
	v44 =	vsub.f32 v20, v24;
	[tilespmem:$0x1FD20] =	vst v1  }
0xcf: {  	v3 =	vperm.xlane v7, v8;
	v1 =	vperm.xlane v2, v53;
	[tilespmem:$0x1FE20] =	vst v29;
	v29 =	vsub.f32 v21, v29  }
0xd0: {  	[tilespmem:$0x1FD70] =	vst v9;
	v9 =	vperm.xlane v7, v25;
	v54 =	vsub.f32 v20, v11;
	v57 =	vsub.f32 v16, v0  }
0xd1: {  	[tilespmem:$0x1FDF0] =	vst v12;
	v41 =	vperm.xlane v14, v17;
	v0 =	vsub.f32 v19, v0;
	v6 =	vsub.f32 v16, v3  }
0xd2: {  	v53 =	vimm.s32 $0x3;
	[tilespmem:$0x1FE40] =	vst v33;
	v33 =	vsub.f32 v21, v33;
	v30 =	vsub.f32 v19, v3  }
0xd3: {  	v3 =	vsub.f32 v21, v12;
	v12 =	vsub.f32 v21, v15;
	[tilespmem:$0x1FD50] =	vst v6;
	v6 =	vperm.xlane v2, v8  }
0xd4: {  	v4 =	vmul.f32 v44, v44;
	v36 =	vsub.f32 v19, v9;
	[tilespmem:$0x1FD40] =	vst v57;
	v8 =	vsub.f32 v18, v1  }
0xd5: {  	[tilespmem:$0x1FDE0] =	vst v0;
	v0 =	vsub.f32 v20, v1;
	v57 =	vperm.xlane v7, v63;
	v13 =	vsub.f32 v18, v6  }
0xd6: {  	v3 =	vmul.f32 v3, v3;
	[tilespmem:$0x1FD60] =	vst v8;
	v8 =	vperm.xlane v7, v23;
	v23 =	vsub.f32 v16, v9  }
0xd7: {  	v1 =	vimm.s32 $0x5;
	v0 =	vmul.f32 v0, v0;
	v9 =	vmul.f32 v29, v29;
	[tilespmem:$0x1FD90] =	vst v13  }
0xd8: {  	v13 =	vperm.xlane v7, v27;
	[tilespmem:$0x1FDB0] =	vst v23;
	v23 =	vperm.xlane v2, v25;
	v25 =	vsub.f32 v18, v11  }
0xd9: {  	[tilespmem:$0x1FE10] =	vst v15;
	v15 =	vadd.f32 v3, v0;
	v3 =	vmul.f32 v33, v33;
	v17 =	vsub.f32 v16, v8  }
0xda: {  	v33 =	vmul.f32 v32, v32;
	v34 =	vsub.f32 v19, v8;
	[tilespmem:$0x1FDC0] =	vst v25;
	v25 =	vsub.f32 v16, v13  }
0xdb: {  	v11 =	vperm.xlane v2, v62;
	v8 =	vimm.s32 $0x1;
	v62 =	vperm.xlane v14, v50;
	[tilespmem:$0x1FDA0] =	vst v17  }
0xdc: {  	v8 =	vperm.xlane v14, v8;
	v17 =	vperm.xlane v7, v28;
	[tilespmem:$0x1FDD0] =	vst v25;
	v25 =	vimm.s32 $0x5  }
0xdd: {  	[tilespmem:$0x1FEA0] =	vst v42;
	v32 =	vsub.f32 v19, v49;
	v27 =	vperm.xlane v7, v25;
	v47 =	vperm.xlane v2, v25  }
0xde: {  	[tilespmem:$0x1FEF0] =	vst v45;
	v25 =	vsub.f32 v20, v6;
	v6 =	vmul.f32 v12, v12;
	v12 =	vsub.f32 v20, v59  }
0xdf: {  	[tilespmem:$0x1FF30] =	vst v46;
	v28 =	vperm.xlane v2, v28;
	v61 =	vsub.f32 v19, v13;
	v13 =	vperm.xlane v14, v63  }
0xe0: {  	[tilespmem:$0x1FE00] =	vst v24;
	v24 =	vadd.f32 v6, v4;
	v4 =	vimm.s32 $0x1;
	v0 =	vmul.f32 v12, v12  }
0xe1: {  	[tilespmem:$0x1FF70] =	vst v48;
	v29 =	vsub.f32 v19, v17;
	v6 =	vperm.xlane v14, v1;
	v58 =	vperm.xlane v7, v4  }
0xe2: {  	[tilespmem:$0x1FE60] =	vst v10;
	v59 =	vimm.s32 $0x2;
	v7 =	vmul.f32 v25, v25;
	v12 =	vperm.xlane v2, v4  }
0xe3: {  	[tilespmem:$0x1FED0] =	vst v43;
	v1 =	vsub.f32 v18, v23;
	v2 =	vperm.xlane v14, v35;
	v4 =	vperm.xlane v14, v37  }
0xe4: {  	[tilespmem:$0x1FFB0] =	vst v56;
	v23 =	vsub.f32 v20, v23;
	v35 =	vmul.f32 v34, v34;
	v37 =	vmul.f32 v36, v36  }
0xe5: {  	[tilespmem:$0x1FFC0] =	vst v55;
	v36 =	vmul.f32 v54, v54;
	v54 =	vsub.f32 v20, v42;
	v34 =	vsub.f32 v19, v55  }
0xe6: {  	[tilespmem:$0x1FE90] =	vst v41;
	v44 =	vadd.f32 v3, v0;
	v3 =	vperm.xlane v14, v40;
	v0 =	vsub.f32 v16, v17  }
0xe7: {  	[tilespmem:$0x1FE70] =	vst v1;
	v40 =	vmul.f32 v30, v30;
	v30 =	vmul.f32 v31, v31;
	v1 =	vsub.f32 v16, v26  }
0xe8: {  	[tilespmem:$0x1FFE0] =	vst v57;
	v31 =	vsub.f32 v19, v26;
	v26 =	vsub.f32 v21, v41;
	v17 =	vmul.f32 v61, v61  }
0xe9: {  	[tilespmem:$0x1FF40] =	vst v62;
	v39 =	vmul.f32 v23, v23;
	v25 =	vadd.f32 v9, v7;
	v7 =	vperm.xlane v14, v51  }
0xea: {  	v9 =	vperm.xlane v14, v53;
	v50 =	vmul.f32 v54, v54;
	[tilespmem:$0x1FE50] =	vst v0;
	v0 =	vsub.f32 v19, v10  }
0xeb: {  	v10 =	vperm.xlane v14, v59;
	[tilespmem:$0x1FE80] =	vst v1;
	v1 =	vsub.f32 v16, v27;
	v59 =	vsub.f32 v21, v43  }
0xec: {  	[tilespmem:$0x1FF50] =	vst v47;
	v43 =	vsub.f32 v19, v27;
	v38 =	vmul.f32 v26, v26;
	v26 =	vsub.f32 v21, v2  }
0xed: {  	[tilespmem:$0x1FF60] =	vst v6;
	v27 =	vsub.f32 v20, v45;
	v61 =	vsub.f32 v21, v3;
	v0 =	vmul.f32 v0, v0  }
0xee: {  	[tilespmem:$0x1FEC0] =	vst v1;
	v51 =	vmul.f32 v59, v59;
	v1 =	vsub.f32 v18, v28;
	v28 =	vsub.f32 v20, v28  }
0xef: {  	[tilespmem:$0x1FEE0] =	vst v2;
	v41 =	vmul.f32 v26, v26;
	v23 =	vmul.f32 v27, v27;
	v26 =	vsub.f32 v21, v4  }
0xf0: {  	[tilespmem:$0x1FF20] =	vst v4;
	v54 =	vmul.f32 v61, v61;
	v27 =	vsub.f32 v20, v46;
	v46 =	vsub.f32 v19, v52  }
0xf1: {  	[tilespmem:$0x1FFD0] =	vst v9;
	v4 =	vsub.f32 v21, v9;
	v61 =	vsub.f32 v21, v10;
	v42 =	vmul.f32 v28, v28  }
0xf2: {  	v9 =	vmovc v11;
	v28 =	vsub.f32 v21, v62;
	v62 =	vsub.f32 v20, v47;
	v45 =	vmul.f32 v26, v26  }
0xf3: {  	[tilespmem:$0x1FFF0] =	vst v58;
	v47 =	vmul.f32 v27, v27;
	v26 =	vsub.f32 v21, v6;
	v5 =	vsub.f32 v20, v9  }
0xf4: {  	[tilespmem:$0x1FF10] =	vst v3;
	v52 =	vmul.f32 v4, v4;
	v59 =	vmul.f32 v28, v28;
	v28 =	vsub.f32 v20, v48  }
0xf5: {  	[tilespmem:$0x1FF90] =	vst v7;
	v61 =	vmul.f32 v61, v61;
	v48 =	vmul.f32 v26, v26;
	v26 =	vsub.f32 v21, v7  }
0xf6: {  	v14 =	vmovc v10;
	v27 =	vmul.f32 v62, v62;
	v49 =	vmul.f32 v28, v28;
	v28 =	vsub.f32 v20, v56  }
0xf7: {  	v11 =	vmovc v12;
	v53 =	vmul.f32 v26, v26;
	v26 =	vsub.f32 v19, v57;
	v56 =	vsub.f32 v20, v60  }
0xf8: {  	v12 =	vmovc v60;
	v55 =	vmul.f32 v5, v5;
	v57 =	vsub.f32 v21, v13;
	v60 =	vsub.f32 v21, v8  }
0xf9: {  	s24 =	simm.s32 $0x1;
	s29 =	simm.s32 $0x2;
	s23 =	sor.u32 $0x10, s22;
	[tilespmem:$0x1FF00] =	vst v1;
	v62 =	vmul.f32 v28, v28;
	v28 =	vsub.f32 v19, v58;
	v58 =	vsub.f32 v20, v11  }
.LBB2_3:
0xfa: {  	v29 =	vmul.f32 v29, v29;
	v50 =	vadd.f32 v51, v50;
	v36 =	vadd.f32 v38, v36  }
0xfb: {  	v31 =	vmul.f32 v31, v31;
	v23 =	vadd.f32 v54, v23;
	v39 =	vadd.f32 v41, v39  }
0xfc: {  	v56 =	vmul.f32 v56, v56;
	v47 =	vadd.f32 v59, v47;
	v42 =	vadd.f32 v45, v42  }
0xfd: {  	v57 =	vmul.f32 v57, v57;
	v49 =	vadd.f32 v53, v49;
	v27 =	vadd.f32 v48, v27  }
0xfe: {  	v58 =	vmul.f32 v58, v58;
	v4 =	vadd.f32 v61, v55;
	v5 =	vadd.f32 v52, v62  }
0xff: {  	v60 =	vmul.f32 v60, v60;
	v25 =	vadd.f32 v40, v25;
	v0 =	vadd.f32 v0, v24  }
0x100: {  	v43 =	vmul.f32 v43, v43;
	v30 =	vadd.f32 v30, v44;
	v38 =	vadd.f32 v57, v56  }
0x101: {  	v26 =	vmul.f32 v26, v26;
	v41 =	vadd.f32 v60, v58;
	v45 =	vadd.f32 v33, v36  }
0x102: {  	v28 =	vmul.f32 v28, v28;
	v52 =	vadd.f32 v37, v39;
	v35 =	vadd.f32 v35, v50  }
0x103: {  	v1 =	vld [tilespmem:$0x1FDE0];
	v29 =	vadd.f32 v29, v42;
	v17 =	vadd.f32 v17, v23;
	v23 =	vmul.f32 v34, v34  }
0x104: {  	v53 =	vmul.f32 v46, v46;
	v26 =	vadd.f32 v26, v38;
	v28 =	vadd.f32 v28, v41  }
0x105: {  	v24 =	vmul.f32 v32, v32;
	v27 =	vadd.f32 v43, v27;
	v23 =	vadd.f32 v23, v4  }
0x106: {  	vm0 =	vlt.f32 v28, v26;
	v26 =	vmin.f32 v26, v28;
	v28 =	vadd.f32 v53, v5  }
0x107: {  	v24 =	vadd.f32 v24, v49;
	vm11 =	vlt.f32 v23, v26;
	v23 =	vmin.f32 v26, v23  }
0x108: {  	v10 =	vmul.f32 v1, v1;
	vm12 =	vlt.f32 v28, v23;
	v23 =	vmin.f32 v23, v28  }
0x109: {  	v31 =	vadd.f32 v31, v47;
	vm13 =	vlt.f32 v24, v23;
	v23 =	vmin.f32 v23, v24  }
0x10a: {  	v10 =	vadd.f32 v10, v15;
	vm14 =	vlt.f32 v27, v23;
	v23 =	vmin.f32 v23, v27  }
0x10b: {  	v54 =	vsel vm0, $0x1, v63;
	vm15 =	vlt.f32 v31, v23;
	v23 =	vmin.f32 v23, v31  }
0x10c: {  	v26 =	vsel vm11, $0x2, v54;
	vm4 =	vlt.f32 v29, v23;
	v23 =	vmin.f32 v23, v29  }
0x10d: {  	v26 =	vsel vm12, $0x3, v26;
	vm5 =	vlt.f32 v17, v23;
	v17 =	vmin.f32 v23, v17  }
0x10e: {  	v2 =	vld [tilespmem:$0x1FC60];
	v24 =	vsel vm13, $0x4, v26;
	vm6 =	vlt.f32 v52, v17;
	v17 =	vmin.f32 v17, v52  }
0x10f: {  	v1 =	vld [tilespmem:$0x1FCF0];
	v24 =	vsel vm14, $0x5, v24;
	vm7 =	vlt.f32 v35, v17;
	v17 =	vmin.f32 v17, v35  }
0x110: {  	v24 =	vsel vm15, $0x6, v24;
	vm8 =	vlt.f32 v45, v17;
	v17 =	vmin.f32 v17, v45  }
0x111: {  	v24 =	vsel vm4, $0x7, v24;
	vm9 =	vlt.f32 v30, v17;
	v17 =	vmin.f32 v17, v30  }
0x112: {  	v23 =	vsel vm5, $0x8, v24;
	vm10 =	vlt.f32 v25, v17;
	v17 =	vmin.f32 v17, v25  }
0x113: {  	v23 =	vsel vm6, $0x9, v23;
	vm11 =	vlt.f32 v0, v17;
	v0 =	vmin.f32 v17, v0  }
0x114: {  	v1 =	vmin.f32 v1, v2;
	v23 =	vsel vm7, $0xA, v23;
	v2 =	vmin.f32 v0, v10  }
0x115: {  	[tilespmem:$0x1FCF0] =	vst v1;
	v23 =	vsel vm8, $0xB, v23;
	vm0 =	vlt.f32 v2, v1;
	v1 =	vld [tilespmem:$0x1FC70]  }
0x116: {  	v23 =	vsel vm9, $0xC, v23  }
0x117: {  	v23 =	vsel vm10, $0xD, v23  }
0x118: {  	v15 =	vsel vm11, $0xE, v23;
	vm12 =	vlt.f32 v10, v0  }
0x119: {  	v10 =	vsel vm12, $0xF, v15  }
0x11a: {  	v16 =	vld [tilespmem:$0x1FEB0];
	v1 =	vsel vm0, v10, v1  }
0x11b: {  	[tilespmem:$0x1FC70] =	vst v1;
	v1 =	vld [tilespmem:$0x1FFE0];
	_ =	sdelay $0x4  }
0x11c: {  	v5 =	vsub.f32 v16, v1;
	v1 =	vld [tilespmem:$0x1FFF0];
	_ =	sdelay $0x4  }
0x11d: {  	v6 =	vsub.f32 v16, v1;
	v1 =	vld [tilespmem:$0x1FFB0];
	_ =	sdelay $0x1  }
0x11e: {  	[tilespmem:$0x1FC60] =	vst v2;
	v2 =	vld [tilespmem:$0x1FF90];
	_ =	sdelay $0x2  }
0x11f: {  	v4 =	vsub.f32 v18, v1;
	v1 =	vld [tilespmem:$0x1FFD0]  }
0x120: {  	v12 =	vsub.f32 v18, v12  }
0x121: {  	v0 =	vsub.f32 v22, v13;
	v3 =	vsub.f32 v22, v2;
	v2 =	vld [tilespmem:$0x1FFA0]  }
0x122: {  	v11 =	vsub.f32 v18, v11;
	v13 =	vsub.f32 v22, v8  }
0x123: {  	v0 =	vmul.f32 v0, v0;
	v10 =	vmul.f32 v12, v12  }
0x124: {  	v11 =	vmul.f32 v11, v11;
	v12 =	vmul.f32 v13, v13;
	v7 =	vsub.f32 v22, v1;
	v1 =	vld [tilespmem:$0x1FFC0]  }
0x125: {  	v0 =	vadd.f32 v0, v10  }
0x126: {  	v10 =	vadd.f32 v12, v11;
	v12 =	vsub.f32 v16, v2;
	v2 =	vld [tilespmem:$0x1FF50];
	_ =	sdelay $0x2  }
0x127: {  	v13 =	vsub.f32 v16, v1  }
0x128: {  	v8 =	vsub.f32 v18, v9  }
0x129: {  	v9 =	vsub.f32 v22, v14;
	v11 =	vmul.f32 v13, v13;
	v13 =	vsub.f32 v18, v2;
	v2 =	vld [tilespmem:$0x1FF60];
	_ =	sdelay $0x1  }
0x12a: {  	v14 =	vld [tilespmem:$0x1FF30];
	v8 =	vmul.f32 v8, v8;
	v9 =	vmul.f32 v9, v9  }
0x12b: {  	v1 =	vld [tilespmem:$0x1FF70]  }
0x12c: {  	v8 =	vadd.f32 v9, v8;
	v55 =	vmul.f32 v12, v12;
	v12 =	vld [tilespmem:$0x1FF40];
	v6 =	vmul.f32 v6, v6  }
0x12d: {  	v9 =	vld [tilespmem:$0x1FF80];
	v4 =	vmul.f32 v4, v4;
	v7 =	vmul.f32 v7, v7;
	v2 =	vsub.f32 v22, v2  }
0x12e: {  	v6 =	vadd.f32 v6, v10;
	v10 =	vld [tilespmem:$0x1FF20]  }
0x12f: {  	v4 =	vadd.f32 v7, v4;
	v7 =	vmul.f32 v13, v13;
	v2 =	vmul.f32 v2, v2  }
0x130: {  	v17 =	vld [tilespmem:$0x1FE90];
	v14 =	vsub.f32 v18, v14;
	v5 =	vmul.f32 v5, v5;
	v1 =	vsub.f32 v18, v1  }
0x131: {  	v3 =	vmul.f32 v3, v3;
	v12 =	vsub.f32 v22, v12;
	v2 =	vadd.f32 v2, v7;
	v7 =	vld [tilespmem:$0x1FF00]  }
0x132: {  	v15 =	vld [tilespmem:$0x1FEE0];
	v9 =	vsub.f32 v16, v9;
	v0 =	vadd.f32 v5, v0;
	v1 =	vmul.f32 v1, v1  }
0x133: {  	v10 =	vsub.f32 v22, v10;
	v8 =	vadd.f32 v11, v8;
	v11 =	vmul.f32 v12, v12;
	v12 =	vld [tilespmem:$0x1FEF0]  }
0x134: {  	v13 =	vld [tilespmem:$0x1FF10];
	v1 =	vadd.f32 v3, v1;
	v3 =	vmul.f32 v9, v9;
	v9 =	vmul.f32 v14, v14  }
0x135: {  	v56 =	vld [tilespmem:$0x1FEC0];
	vm1 =	vlt.f32 v6, v0;
	v14 =	vmin.f32 v0, v6;
	v6 =	vmul.f32 v10, v10  }
0x136: {  	v1 =	vadd.f32 v3, v1;
	v3 =	vadd.f32 v11, v9;
	v9 =	vld [tilespmem:$0x1FE80];
	v7 =	vmul.f32 v7, v7  }
0x137: {  	v17 =	vsub.f32 v22, v17;
	v0 =	vmin.f32 v14, v8;
	vm13 =	vlt.f32 v8, v14;
	v8 =	vld [tilespmem:$0x1FED0]  }
0x138: {  	v12 =	vsub.f32 v18, v12;
	v57 =	vadd.f32 v6, v7;
	v6 =	vld [tilespmem:$0x1FE50]  }
0x139: {  	v15 =	vsub.f32 v22, v15;
	v13 =	vsub.f32 v22, v13;
	v7 =	vld [tilespmem:$0x1FE70]  }
0x13a: {  	v5 =	vmul.f32 v56, v56;
	v4 =	vadd.f32 v55, v4;
	v10 =	vmul.f32 v12, v12;
	v12 =	vld [tilespmem:$0x1FEA0]  }
0x13b: {  	v11 =	vmul.f32 v13, v13;
	v13 =	vsel vm1, $0x1, v63;
	v9 =	vmul.f32 v9, v9  }
0x13c: {  	v14 =	vmin.f32 v0, v4;
	vm14 =	vlt.f32 v4, v0;
	v0 =	vmul.f32 v15, v15;
	v15 =	vld [tilespmem:$0x1FE40]  }
0x13d: {  	v3 =	vadd.f32 v9, v3;
	v9 =	vadd.f32 v11, v10;
	v10 =	vld [tilespmem:$0x1FDD0];
	v6 =	vmul.f32 v6, v6  }
0x13e: {  	v2 =	vadd.f32 v5, v2;
	v8 =	vsub.f32 v22, v8;
	v7 =	vmul.f32 v7, v7  }
0x13f: {  	v58 =	vmin.f32 v14, v1;
	v12 =	vsub.f32 v18, v12;
	v5 =	vadd.f32 v6, v57;
	v6 =	vld [tilespmem:$0x1FDB0]  }
0x140: {  	vm15 =	vlt.f32 v1, v14;
	v14 =	vmul.f32 v17, v17;
	v0 =	vadd.f32 v0, v7;
	v7 =	vld [tilespmem:$0x1FDC0]  }
0x141: {  	v17 =	vld [tilespmem:$0x1FE20];
	v15 =	vsub.f32 v22, v15;
	v8 =	vmul.f32 v8, v8;
	v11 =	vmul.f32 v12, v12  }
0x142: {  	v13 =	vsel vm13, $0x2, v13;
	v12 =	vld [tilespmem:$0x1FE30];
	v10 =	vmul.f32 v10, v10  }
0x143: {  	v13 =	vsel vm14, $0x3, v13;
	v8 =	vadd.f32 v8, v11;
	v11 =	vmul.f32 v15, v15;
	v15 =	vld [tilespmem:$0x1FE10]  }
0x144: {  	v13 =	vsel vm15, $0x4, v13;
	v59 =	vadd.f32 v10, v9;
	v9 =	vld [tilespmem:$0x1FDA0];
	v6 =	vmul.f32 v6, v6  }
0x145: {  	v1 =	vmin.f32 v58, v2;
	vm4 =	vlt.f32 v2, v58;
	v7 =	vmul.f32 v7, v7  }
0x146: {  	v13 =	vsel vm4, $0x5, v13;
	v2 =	vmin.f32 v1, v3;
	v0 =	vadd.f32 v6, v0;
	v6 =	vld [tilespmem:$0x1FD80]  }
0x147: {  	vm5 =	vlt.f32 v3, v1;
	v12 =	vsub.f32 v18, v12;
	v3 =	vadd.f32 v14, v7;
	v7 =	vld [tilespmem:$0x1FD90]  }
0x148: {  	v17 =	vsub.f32 v22, v17;
	v13 =	vsel vm5, $0x6, v13  }
0x149: {  	v10 =	vmul.f32 v12, v12;
	v12 =	vld [tilespmem:$0x1FE00];
	v15 =	vsub.f32 v22, v15;
	v9 =	vmul.f32 v9, v9  }
0x14a: {  	v1 =	vmin.f32 v2, v5;
	vm6 =	vlt.f32 v5, v2;
	v14 =	vmul.f32 v17, v17;
	v17 =	vld [tilespmem:$0x1FDF0]  }
0x14b: {  	v2 =	vmin.f32 v1, v59;
	v60 =	vadd.f32 v9, v8;
	v9 =	vld [tilespmem:$0x1FD70];
	v6 =	vmul.f32 v6, v6  }
0x14c: {  	v13 =	vsel vm6, $0x7, v13;
	v8 =	vadd.f32 v11, v10;
	v10 =	vld [tilespmem:$0x1FE60];
	v7 =	vmul.f32 v7, v7  }
0x14d: {  	vm7 =	vlt.f32 v59, v1;
	v1 =	vmin.f32 v2, v0;
	v3 =	vadd.f32 v6, v3;
	v6 =	vld [tilespmem:$0x1FD50]  }
0x14e: {  	vm8 =	vlt.f32 v0, v2;
	v61 =	vadd.f32 v14, v7;
	v7 =	vsel vm7, $0x8, v13;
	v13 =	vld [tilespmem:$0x1FD60]  }
0x14f: {  	v12 =	vsub.f32 v18, v12;
	vm9 =	vlt.f32 v60, v1;
	v7 =	vsel vm8, $0x9, v7  }
0x150: {  	v17 =	vsub.f32 v22, v17;
	v9 =	vmul.f32 v9, v9;
	v5 =	vsel vm9, $0xA, v7;
	v7 =	vld [tilespmem:$0x1FD40]  }
0x151: {  	v11 =	vmul.f32 v12, v12;
	v12 =	vmul.f32 v15, v15;
	v0 =	vmin.f32 v1, v60  }
0x152: {  	v10 =	vsub.f32 v16, v10;
	v14 =	vmul.f32 v17, v17;
	v2 =	vadd.f32 v9, v8  }
0x153: {  	v8 =	vadd.f32 v12, v11;
	v6 =	vmul.f32 v6, v6;
	v13 =	vmul.f32 v13, v13  }
0x154: {  	v9 =	vmul.f32 v10, v10;
	v1 =	vmin.f32 v0, v3;
	vm10 =	vlt.f32 v3, v0  }
0x155: {  	v4 =	vadd.f32 v6, v61;
	v6 =	vadd.f32 v14, v13;
	v7 =	vmul.f32 v7, v7  }
0x156: {  	v8 =	vadd.f32 v9, v8;
	v3 =	vmin.f32 v1, v2;
	vm11 =	vlt.f32 v2, v1  }
0x157: {  	v1 =	vmin.f32 v3, v4;
	vm12 =	vlt.f32 v4, v3;
	v3 =	vadd.f32 v7, v6  }
0x158: {  	vm13 =	vlt.f32 v8, v1;
	v1 =	vmin.f32 v1, v8  }
0x159: {  	vm14 =	vlt.f32 v3, v1;
	v1 =	vmin.f32 v1, v3;
	v3 =	vld [tilespmem:$0x1FD00];
	_ =	sdelay $0x1  }
0x15a: {  	s25 =	sadd.s32 $0x10, s25  }
0x15b: {  	s26 =	sadd.s32 $0x10, s26;
	v9 =	vld [tilespmem:s25+$0x0]  }
0x15c: {  	v0 =	vld [tilespmem:s26+$0x0]  }
0x15d: {  	vm15 =	vlt.f32 v1, v3;
	v3 =	vmin.f32 v3, v1  }
0x15e: {  	v62 =	vimm.s32 $0xF;
	[tilespmem:$0x1FD00] =	vst v3;
	v3 =	vld [tilespmem:$0x1FD10]  }
0x15f: {  	v26 =	vimm.s32 $0x7;
	v27 =	vimm.s32 $0x6;
	v29 =	vimm.s32 $0x3  }
0x160: {  	v10 =	vimm.s32 $0xC;
	v17 =	vimm.s32 $0xA;
	v5 =	vsel vm10, $0xB, v5  }
0x161: {  	v2 =	vsel vm11, $0xC, v5;
	v5 =	vperm.xlane v9, v10;
	v41 =	vperm.xlane v0, v10  }
0x162: {  	s28 =	sadd.s32 $0x10, s28;
	v23 =	vimm.s32 $0x9;
	v46 =	vperm.xlane v0, v17;
	v15 =	vperm.xlane v9, v26  }
0x163: {  	v14 =	vld [tilespmem:s28+$0x0];
	v25 =	vperm.xlane v0, v26;
	v55 =	vperm.xlane v0, v27;
	v3 =	vsel vm15, s24, v3  }
0x164: {  	v58 =	vperm.xlane v9, v29;
	v7 =	vimm.s32 $0xE;
	v30 =	vsub.f32 v19, v5;
	[tilespmem:$0x1FD10] =	vst v3;
	v3 =	vld [tilespmem:$0x1FD20]  }
0x165: {  	v4 =	vperm.xlane v0, v62;
	[tilespmem:$0x1FE30] =	vst v41;
	v41 =	vsub.f32 v20, v41;
	v49 =	vsub.f32 v20, v46  }
0x166: {  	[tilespmem:$0x1FF30] =	vst v55;
	v55 =	vsub.f32 v20, v55;
	v2 =	vsel vm12, $0xD, v2;
	v8 =	vimm.s32 $0xD  }
0x167: {  	v28 =	vperm.xlane v9, v7;
	v34 =	vperm.xlane v0, v7;
	v2 =	vsel vm13, $0xE, v2  }
0x168: {  	v30 =	vmul.f32 v30, v30;
	v2 =	vsel vm14, $0xF, v2;
	v31 =	vperm.xlane v14, v62  }
0x169: {  	[tilespmem:$0x1FEA0] =	vst v46;
	v32 =	vperm.xlane v14, v7;
	v7 =	vsub.f32 v18, v4;
	v3 =	vsel vm15, v2, v3;
	v2 =	vld [tilespmem:$0x1FD30]  }
0x16a: {  	v46 =	vsub.f32 v19, v58;
	v39 =	vperm.xlane v14, v8;
	v40 =	vperm.xlane v14, v10;
	[tilespmem:$0x1FE00] =	vst v34  }
0x16b: {  	v50 =	vperm.xlane v14, v17;
	v53 =	vperm.xlane v14, v23;
	[tilespmem:$0x1FD60] =	vst v7;
	v7 =	vsub.f32 v16, v5  }
0x16c: {  	v57 =	vperm.xlane v14, v26;
	v60 =	vperm.xlane v14, v27;
	v34 =	vsub.f32 v20, v34;
	[tilespmem:$0x1FE20] =	vst v39  }
0x16d: {  	v33 =	vsub.f32 v21, v31;
	v35 =	vsub.f32 v21, v32;
	v1 =	vperm.xlane v9, v62;
	[tilespmem:$0x1FD70] =	vst v7  }
0x16e: {  	v39 =	vsub.f32 v21, v39;
	v7 =	vperm.xlane v0, v8;
	[tilespmem:$0x1FD20] =	vst v3;
	v2 =	vsel vm0, s24, v2  }
0x16f: {  	v51 =	vsub.f32 v21, v50;
	v3 =	vperm.xlane v9, v8;
	[tilespmem:$0x1FD30] =	vst v2;
	v2 =	vsub.f32 v16, v1  }
0x170: {  	v42 =	vsub.f32 v21, v40;
	[tilespmem:$0x1FED0] =	vst v50;
	v50 =	vmul.f32 v49, v49;
	v10 =	vsub.f32 v18, v7  }
0x171: {  	v51 =	vmul.f32 v51, v51;
	v8 =	vperm.xlane v9, v17;
	[tilespmem:$0x1FD40] =	vst v2;
	v2 =	vsub.f32 v16, v3  }
0x172: {  	v37 =	vsub.f32 v20, v7;
	v7 =	vperm.xlane v9, v63;
	[tilespmem:$0x1FD90] =	vst v10;
	v1 =	vsub.f32 v19, v1  }
0x173: {  	v17 =	vperm.xlane v0, v23;
	v10 =	vsub.f32 v16, v8;
	[tilespmem:$0x1FD50] =	vst v2;
	v2 =	vimm.s32 $0xB  }
0x174: {  	v38 =	vsub.f32 v19, v8;
	[tilespmem:$0x1FDE0] =	vst v1;
	v1 =	vimm.s32 $0x2;
	v6 =	vperm.xlane v9, v2  }
0x175: {  	[tilespmem:$0x1FFA0] =	vst v58;
	v12 =	vperm.xlane v0, v2;
	v43 =	vperm.xlane v14, v2;
	v2 =	vimm.s32 $0x8  }
0x176: {  	[tilespmem:$0x1FDF0] =	vst v31;
	v13 =	vperm.xlane v9, v2;
	v52 =	vperm.xlane v0, v2;
	v11 =	vsub.f32 v16, v6  }
0x177: {  	[tilespmem:$0x1FE40] =	vst v40;
	v54 =	vperm.xlane v14, v2;
	v2 =	vsub.f32 v18, v17;
	v36 =	vsub.f32 v19, v6  }
0x178: {  	v45 =	vsub.f32 v20, v12;
	v48 =	vsub.f32 v21, v43;
	[tilespmem:$0x1FD80] =	vst v11;
	v11 =	vperm.xlane v9, v23  }
0x179: {  	v47 =	vsub.f32 v19, v13;
	[tilespmem:$0x1FEF0] =	vst v52;
	v52 =	vsub.f32 v20, v52;
	v23 =	vperm.xlane v9, v27  }
0x17a: {  	[tilespmem:$0x1FDA0] =	vst v10;
	v6 =	vperm.xlane v0, v29;
	v27 =	vsub.f32 v19, v3;
	v10 =	vsub.f32 v16, v11  }
0x17b: {  	[tilespmem:$0x1FE70] =	vst v2;
	v3 =	vperm.xlane v9, v1;
	v2 =	vsub.f32 v16, v23;
	v44 =	vsub.f32 v19, v11  }
0x17c: {  	v11 =	vperm.xlane v14, v29;
	v29 =	vsub.f32 v19, v15;
	[tilespmem:$0x1FDB0] =	vst v10;
	v10 =	vsub.f32 v18, v12  }
0x17d: {  	v31 =	vsub.f32 v19, v23;
	v40 =	vmul.f32 v27, v27;
	[tilespmem:$0x1FE80] =	vst v2;
	v2 =	vimm.s32 $0x4  }
0x17e: {  	v12 =	vperm.xlane v0, v1;
	v56 =	vperm.xlane v9, v2;
	[tilespmem:$0x1FDC0] =	vst v10;
	v10 =	vsub.f32 v16, v13  }
0x17f: {  	v23 =	vsub.f32 v21, v53;
	[tilespmem:$0x1FFC0] =	vst v3;
	v5 =	vperm.xlane v14, v2;
	v13 =	vperm.xlane v14, v1  }
0x180: {  	v1 =	vmul.f32 v34, v34;
	v34 =	vsub.f32 v19, v3;
	[tilespmem:$0x1FDD0] =	vst v10;
	v10 =	vsub.f32 v16, v15  }
0x181: {  	v3 =	vmul.f32 v39, v39;
	[tilespmem:$0x1FF90] =	vst v5;
	v62 =	vsub.f32 v21, v5;
	v15 =	vsub.f32 v20, v17  }
0x182: {  	v5 =	vmul.f32 v42, v42;
	v17 =	vperm.xlane v0, v63;
	[tilespmem:$0x1FE50] =	vst v10;
	v10 =	vimm.s32 $0x5  }
0x183: {  	[tilespmem:$0x1FEE0] =	vst v53;
	v53 =	vsub.f32 v21, v54;
	v39 =	vmul.f32 v15, v15;
	v24 =	vperm.xlane v9, v10  }
0x184: {  	[tilespmem:$0x1FE10] =	vst v32;
	v32 =	vsub.f32 v19, v56;
	v59 =	vperm.xlane v0, v10;
	v10 =	vperm.xlane v14, v10  }
0x185: {  	[tilespmem:$0x1FE90] =	vst v43;
	v26 =	vsub.f32 v16, v24;
	v16 =	vperm.xlane v14, v63;
	v43 =	vsub.f32 v19, v24  }
0x186: {  	[tilespmem:$0x1FE60] =	vst v28;
	v24 =	vsub.f32 v20, v25;
	v27 =	vsub.f32 v20, v59;
	v63 =	vmul.f32 v33, v33  }
0x187: {  	[tilespmem:$0x1FF60] =	vst v10;
	v58 =	vsub.f32 v21, v10;
	v33 =	vmul.f32 v36, v36;
	v10 =	vmul.f32 v37, v37  }
0x188: {  	v37 =	vmul.f32 v44, v44;
	v36 =	vmul.f32 v45, v45;
	[tilespmem:$0x1FEC0] =	vst v26;
	v26 =	vsub.f32 v18, v25  }
0x189: {  	[tilespmem:$0x1FF20] =	vst v57;
	v25 =	vsub.f32 v21, v57;
	v57 =	vsub.f32 v21, v60;
	v42 =	vmul.f32 v24, v24  }
0x18a: {  	v27 =	vmul.f32 v27, v27;
	[tilespmem:$0x1FF00] =	vst v26;
	v26 =	vsub.f32 v19, v28;
	v28 =	vsub.f32 v20, v4  }
0x18b: {  	[tilespmem:$0x1FF10] =	vst v54;
	v4 =	vperm.xlane v0, v2;
	v2 =	vimm.s32 $0x1;
	v45 =	vmul.f32 v25, v25  }
0x18c: {  	[tilespmem:$0x1FF50] =	vst v59;
	v44 =	vsub.f32 v20, v6;
	v59 =	vmul.f32 v57, v57;
	v9 =	vperm.xlane v9, v2  }
0x18d: {  	[tilespmem:$0x1FFB0] =	vst v6;
	v6 =	vsub.f32 v21, v11;
	v54 =	vperm.xlane v0, v2;
	v8 =	vperm.xlane v14, v2  }
0x18e: {  	v57 =	vsub.f32 v21, v16;
	v2 =	vmul.f32 v35, v35;
	v35 =	vmul.f32 v38, v38  }
0x18f: {  	[tilespmem:$0x1FF40] =	vst v60;
	v25 =	vadd.f32 v3, v10;
	v38 =	vmul.f32 v48, v48;
	v48 =	vmul.f32 v58, v58  }
0x190: {  	[tilespmem:$0x1FFE0] =	vst v7;
	v0 =	vmul.f32 v26, v26;
	v61 =	vmul.f32 v28, v28;
	v60 =	vsub.f32 v20, v4  }
0x191: {  	[tilespmem:$0x1FF70] =	vst v4;
	v4 =	vmul.f32 v41, v41;
	v26 =	vsub.f32 v19, v7;
	v41 =	vmul.f32 v23, v23  }
0x192: {  	[tilespmem:$0x1FFD0] =	vst v11;
	v23 =	vmul.f32 v52, v52;
	v7 =	vsub.f32 v21, v13;
	v52 =	vmul.f32 v6, v6  }
0x193: {  	p0 =	sne.s32 s29, $0x7F;
	[tilespmem:$0x1FFF0] =	vst v9;
	v28 =	vsub.f32 v19, v9;
	v11 =	vmov v54;
	v54 =	vmul.f32 v53, v53  }
.Ltmp0:
0x194: {  	v53 =	vmul.f32 v62, v62;
	v62 =	vmul.f32 v44, v44;
	v24 =	vadd.f32 v2, v1;
	v9 =	vmovc v12;
	(pc) =	sbr.rel @p0 .LBB2_3-.Ltmp0, $4  }
0x195: {  	v58 =	vsub.f32 v20, v11;
	v49 =	vmul.f32 v60, v60;
	v15 =	vsub.f32 v20, v9  }
0x196: {  	v60 =	vsub.f32 v21, v8;
	v44 =	vadd.f32 v5, v4;
	v12 =	vmovc v17;
	v17 =	vmul.f32 v47, v47  }
0x197: {  	[tilespmem:$0x1FF80] =	vst v56;
	v47 =	vmul.f32 v55, v55;
	v56 =	vsub.f32 v20, v12;
	v55 =	vmul.f32 v15, v15  }
0x198: {  	s24 =	smov.u32 s29;
	s29 =	sadd.s32 $0x1, s29;
	v14 =	vmovc v13;
	v13 =	vmovc v16;
	v15 =	vadd.f32 v63, v61;
	v63 =	vimm.s32 $0x0;
	v61 =	vmul.f32 v7, v7  }
0x199: {  	v1 =	vadd.f32 v51, v50;
	v2 =	vadd.f32 v38, v36  }
0x19a: {  	v3 =	vadd.f32 v54, v23;
	v4 =	vadd.f32 v41, v39  }
0x19b: {  	v5 =	vadd.f32 v59, v47;
	v6 =	vadd.f32 v45, v42  }
0x19c: {  	v7 =	vadd.f32 v53, v49;
	v10 =	vmul.f32 v56, v56;
	v19 =	vmul.f32 v57, v57  }
0x19d: {  	v20 =	vadd.f32 v48, v27;
	v21 =	vmul.f32 v58, v58;
	v60 =	vmul.f32 v60, v60  }
0x19e: {  	v62 =	vadd.f32 v52, v62;
	v39 =	vmul.f32 v43, v43;
	v41 =	vmul.f32 v26, v26  }
0x19f: {  	v40 =	vadd.f32 v40, v25;
	v42 =	vmul.f32 v28, v28;
	v43 =	vmul.f32 v32, v32  }
0x1a0: {  	v45 =	vmul.f32 v34, v34;
	v10 =	vadd.f32 v19, v10;
	v38 =	vadd.f32 v60, v21  }
0x1a1: {  	v47 =	vmul.f32 v46, v46;
	v0 =	vadd.f32 v0, v24;
	v61 =	vadd.f32 v61, v55  }
0x1a2: {  	v50 =	vmul.f32 v31, v31;
	v10 =	vadd.f32 v41, v10;
	v19 =	vadd.f32 v42, v38  }
0x1a3: {  	v51 =	vmul.f32 v29, v29;
	v20 =	vadd.f32 v39, v20;
	v48 =	vadd.f32 v45, v61  }
0x1a4: {  	v49 =	vadd.f32 v47, v62;
	vm14 =	vlt.f32 v19, v10;
	v10 =	vmin.f32 v10, v19  }
0x1a5: {  	v7 =	vadd.f32 v43, v7;
	vm13 =	vlt.f32 v48, v10;
	v10 =	vmin.f32 v10, v48  }
0x1a6: {  	v5 =	vadd.f32 v50, v5;
	vm12 =	vlt.f32 v49, v10;
	v10 =	vmin.f32 v10, v49  }
0x1a7: {  	v6 =	vadd.f32 v51, v6;
	vm11 =	vlt.f32 v7, v10;
	v7 =	vmin.f32 v10, v7  }
0x1a8: {  	v3 =	vadd.f32 v17, v3;
	vm10 =	vlt.f32 v20, v7;
	v7 =	vmin.f32 v7, v20  }
0x1a9: {  	v4 =	vadd.f32 v37, v4;
	vm0 =	vlt.f32 v5, v7;
	v5 =	vmin.f32 v7, v5  }
0x1aa: {  	v1 =	vadd.f32 v35, v1;
	vm6 =	vlt.f32 v6, v5;
	v5 =	vmin.f32 v5, v6  }
0x1ab: {  	v2 =	vadd.f32 v33, v2;
	vm1 =	vlt.f32 v3, v5;
	v3 =	vmin.f32 v5, v3  }
0x1ac: {  	v16 =	vld [tilespmem:$0x1FEB0];
	v7 =	vsub.f32 v18, v9;
	vm7 =	vlt.f32 v4, v3;
	v3 =	vmin.f32 v3, v4  }
0x1ad: {  	v10 =	vld [tilespmem:$0x1FFF0];
	v4 =	vadd.f32 v30, v44;
	vm2 =	vlt.f32 v1, v3;
	v1 =	vmin.f32 v3, v1  }
0x1ae: {  	v3 =	vsub.f32 v18, v12;
	vm3 =	vlt.f32 v2, v1;
	v1 =	vmin.f32 v1, v2  }
0x1af: {  	v2 =	vld [tilespmem:$0x1FDE0];
	vm4 =	vlt.f32 v4, v1;
	v1 =	vmin.f32 v1, v4;
	v4 =	vsub.f32 v22, v13  }
0x1b0: {  	v6 =	vsub.f32 v22, v8;
	v5 =	vsub.f32 v18, v11  }
0x1b1: {  	v9 =	vld [tilespmem:$0x1FFE0];
	v8 =	vsub.f32 v22, v14;
	v3 =	vmul.f32 v3, v3;
	v4 =	vmul.f32 v4, v4  }
0x1b2: {  	v10 =	vsub.f32 v16, v10;
	v6 =	vmul.f32 v6, v6;
	v5 =	vmul.f32 v5, v5  }
0x1b3: {  	v3 =	vadd.f32 v4, v3;
	v4 =	vmul.f32 v7, v7;
	v7 =	vmul.f32 v8, v8  }
0x1b4: {  	vm5 =	vlt.f32 v40, v1;
	v1 =	vmin.f32 v1, v40;
	v2 =	vmul.f32 v2, v2  }
0x1b5: {  	vm8 =	vlt.f32 v0, v1;
	v0 =	vmin.f32 v1, v0;
	v1 =	vadd.f32 v7, v4;
	v4 =	vld [tilespmem:$0x1FFD0]  }
0x1b6: {  	v9 =	vsub.f32 v16, v9;
	v2 =	vadd.f32 v2, v15  }
0x1b7: {  	v5 =	vadd.f32 v6, v5;
	v8 =	vmul.f32 v10, v10;
	v10 =	vld [tilespmem:$0x1FFA0]  }
0x1b8: {  	v6 =	vmul.f32 v9, v9;
	vm9 =	vlt.f32 v2, v0;
	v0 =	vmin.f32 v0, v2;
	v2 =	vld [tilespmem:$0x1FFB0]  }
0x1b9: {  	v7 =	vld [tilespmem:$0x1FC60]  }
0x1ba: {  	v3 =	vadd.f32 v6, v3;
	v6 =	vsub.f32 v22, v4;
	v4 =	vld [tilespmem:$0x1FCF0];
	_ =	sdelay $0x2  }
0x1bb: {  	v52 =	vld [tilespmem:$0x1FF60];
	v2 =	vsub.f32 v18, v2  }
0x1bc: {  	v9 =	vld [tilespmem:$0x1FF90];
	v10 =	vsub.f32 v16, v10  }
0x1bd: {  	v6 =	vmul.f32 v6, v6;
	v2 =	vmul.f32 v2, v2;
	v4 =	vmin.f32 v4, v7;
	v7 =	vld [tilespmem:$0x1FFC0]  }
0x1be: {  	v5 =	vadd.f32 v8, v5;
	v8 =	vld [tilespmem:$0x1FF70]  }
0x1bf: {  	v11 =	vld [tilespmem:$0x1FF50];
	v2 =	vadd.f32 v6, v2;
	v6 =	vmul.f32 v10, v10;
	_ =	sdelay $0x1  }
0x1c0: {  	v2 =	vadd.f32 v6, v2;
	v6 =	vld [tilespmem:$0x1FF80]  }
0x1c1: {  	v7 =	vsub.f32 v16, v7  }
0x1c2: {  	v9 =	vsub.f32 v22, v9;
	v8 =	vsub.f32 v18, v8;
	v10 =	vld [tilespmem:$0x1FF40]  }
0x1c3: {  	v12 =	vsub.f32 v22, v52;
	v11 =	vsub.f32 v18, v11;
	v7 =	vmul.f32 v7, v7  }
0x1c4: {  	v9 =	vmul.f32 v9, v9;
	vm15 =	vlt.f32 v5, v3;
	v8 =	vmul.f32 v8, v8  }
0x1c5: {  	v3 =	vmin.f32 v3, v5;
	v5 =	vld [tilespmem:$0x1FF30];
	v6 =	vsub.f32 v16, v6;
	v1 =	vadd.f32 v7, v1  }
0x1c6: {  	v7 =	vadd.f32 v9, v8;
	v8 =	vmul.f32 v11, v11;
	v9 =	vmul.f32 v12, v12  }
0x1c7: {  	v10 =	vsub.f32 v22, v10  }
0x1c8: {  	v11 =	vld [tilespmem:$0x1FF20];
	v6 =	vmul.f32 v6, v6;
	v8 =	vadd.f32 v9, v8;
	v9 =	vsel vm14, $0x1, v63  }
0x1c9: {  	vm14 =	vlt.f32 v1, v3;
	v1 =	vmin.f32 v3, v1;
	v3 =	vmul.f32 v10, v10;
	v10 =	vld [tilespmem:$0x1FEC0]  }
0x1ca: {  	v5 =	vsub.f32 v18, v5;
	v6 =	vadd.f32 v6, v7;
	v7 =	vld [tilespmem:$0x1FF00];
	_ =	sdelay $0x1  }
0x1cb: {  	v5 =	vmul.f32 v5, v5  }
0x1cc: {  	v11 =	vsub.f32 v22, v11  }
0x1cd: {  	v53 =	vld [tilespmem:$0x1FED0];
	v3 =	vadd.f32 v3, v5;
	v10 =	vmul.f32 v10, v10  }
0x1ce: {  	v5 =	vsel vm13, $0x2, v9;
	v9 =	vld [tilespmem:$0x1FE80];
	v11 =	vmul.f32 v11, v11;
	v7 =	vmul.f32 v7, v7  }
0x1cf: {  	vm13 =	vlt.f32 v2, v1;
	v1 =	vmin.f32 v1, v2;
	v2 =	vadd.f32 v10, v8;
	v10 =	vld [tilespmem:$0x1FEA0]  }
0x1d0: {  	v7 =	vadd.f32 v11, v7;
	v11 =	vld [tilespmem:$0x1FE50];
	_ =	sdelay $0x2  }
0x1d1: {  	v12 =	vsub.f32 v22, v53;
	v9 =	vmul.f32 v9, v9  }
0x1d2: {  	v5 =	vsel vm12, $0x3, v5;
	vm12 =	vlt.f32 v6, v1;
	v1 =	vmin.f32 v1, v6;
	v6 =	vld [tilespmem:$0x1FF10]  }
0x1d3: {  	v3 =	vadd.f32 v9, v3;
	v9 =	vld [tilespmem:$0x1FEE0];
	v10 =	vsub.f32 v18, v10;
	v11 =	vmul.f32 v11, v11  }
0x1d4: {  	v8 =	vld [tilespmem:$0x1FEF0]  }
0x1d5: {  	v54 =	vld [tilespmem:$0x1FE70];
	v10 =	vmul.f32 v10, v10;
	v7 =	vadd.f32 v11, v7;
	v11 =	vmul.f32 v12, v12  }
0x1d6: {  	v5 =	vsel vm11, $0x4, v5  }
0x1d7: {  	vm11 =	vlt.f32 v2, v1;
	v1 =	vmin.f32 v1, v2;
	v2 =	vadd.f32 v11, v10;
	v11 =	vld [tilespmem:$0x1FDB0]  }
0x1d8: {  	v9 =	vsub.f32 v22, v9  }
0x1d9: {  	v6 =	vsub.f32 v22, v6;
	v8 =	vsub.f32 v18, v8  }
0x1da: {  	v13 =	vmul.f32 v54, v54;
	v9 =	vmul.f32 v9, v9  }
0x1db: {  	v6 =	vmul.f32 v6, v6;
	v8 =	vmul.f32 v8, v8  }
0x1dc: {  	v9 =	vadd.f32 v9, v13;
	v11 =	vmul.f32 v11, v11  }
0x1dd: {  	v5 =	vsel vm10, $0x5, v5;
	v6 =	vadd.f32 v6, v8;
	v8 =	vld [tilespmem:$0x1FDD0]  }
0x1de: {  	vm10 =	vlt.f32 v3, v1;
	v1 =	vmin.f32 v1, v3;
	v10 =	vld [tilespmem:$0x1FE30];
	v9 =	vadd.f32 v11, v9  }
0x1df: {  	v11 =	vsel vm15, $0x1, v63;
	vm15 =	vlt.f32 v7, v1;
	v1 =	vmin.f32 v1, v7;
	v7 =	vld [tilespmem:$0x1FE40];
	_ =	sdelay $0x2  }
0x1e0: {  	v8 =	vmul.f32 v8, v8  }
0x1e1: {  	v10 =	vsub.f32 v18, v10  }
0x1e2: {  	v6 =	vadd.f32 v8, v6;
	v8 =	vld [tilespmem:$0x1FE90];
	v7 =	vsub.f32 v22, v7;
	_ =	sdelay $0x1  }
0x1e3: {  	v55 =	vld [tilespmem:$0x1FDC0];
	v10 =	vmul.f32 v10, v10;
	v7 =	vmul.f32 v7, v7  }
0x1e4: {  	v11 =	vsel vm14, $0x2, v11  }
0x1e5: {  	vm14 =	vlt.f32 v6, v1;
	v1 =	vmin.f32 v1, v6;
	v6 =	vadd.f32 v7, v10;
	v10 =	vld [tilespmem:$0x1FD80]  }
0x1e6: {  	v8 =	vsub.f32 v22, v8;
	_ =	sdelay $0x1  }
0x1e7: {  	v12 =	vmul.f32 v55, v55;
	v8 =	vmul.f32 v8, v8;
	_ =	sdelay $0x1  }
0x1e8: {  	v59 =	vld [tilespmem:$0x1FDA0];
	v8 =	vadd.f32 v8, v12;
	v10 =	vmul.f32 v10, v10  }
0x1e9: {  	v11 =	vsel vm13, $0x3, v11  }
0x1ea: {  	v8 =	vadd.f32 v10, v8;
	v10 =	vsel vm12, $0x4, v11;
	v11 =	vld [tilespmem:$0x1FD70]  }
0x1eb: {  	v3 =	vld [tilespmem:$0x1FE00]  }
0x1ec: {  	v56 =	vld [tilespmem:$0x1FE20]  }
0x1ed: {  	v57 =	vld [tilespmem:$0x1FE10];
	v15 =	vmul.f32 v59, v59  }
0x1ee: {  	v60 =	vld [tilespmem:$0x1FD90]  }
0x1ef: {  	v58 =	vld [tilespmem:$0x1FDF0];
	v2 =	vadd.f32 v15, v2;
	v11 =	vmul.f32 v11, v11  }
0x1f0: {  	v3 =	vsub.f32 v18, v3;
	vm13 =	vlt.f32 v9, v1;
	v1 =	vmin.f32 v1, v9;
	v7 =	vld [tilespmem:$0x1FE60]  }
0x1f1: {  	vm12 =	vlt.f32 v2, v1;
	v1 =	vmin.f32 v1, v2;
	v2 =	vadd.f32 v11, v6;
	v6 =	vld [tilespmem:$0x1FD50]  }
0x1f2: {  	v13 =	vsub.f32 v22, v57;
	v12 =	vsub.f32 v22, v56  }
0x1f3: {  	v3 =	vmul.f32 v3, v3;
	v15 =	vmul.f32 v60, v60  }
0x1f4: {  	v61 =	vmul.f32 v13, v13;
	v12 =	vmul.f32 v12, v12  }
0x1f5: {  	v14 =	vsub.f32 v22, v58;
	v7 =	vsub.f32 v16, v7  }
0x1f6: {  	v3 =	vadd.f32 v61, v3;
	v9 =	vadd.f32 v12, v15;
	v11 =	vld [tilespmem:$0x1FD60];
	v6 =	vmul.f32 v6, v6  }
0x1f7: {  	v7 =	vmul.f32 v7, v7;
	v10 =	vsel vm11, $0x5, v10;
	vm11 =	vlt.f32 v8, v1  }
0x1f8: {  	v1 =	vmin.f32 v1, v8;
	v6 =	vadd.f32 v6, v9;
	v9 =	vsel vm10, $0x6, v10  }
0x1f9: {  	vm10 =	vlt.f32 v2, v1;
	v1 =	vmin.f32 v1, v2;
	v2 =	vadd.f32 v7, v3;
	v7 =	vld [tilespmem:$0x1FD40]  }
0x1fa: {  	v62 =	vmul.f32 v14, v14;
	v5 =	vsel vm0, $0x6, v5;
	v3 =	vsel vm15, $0x7, v9  }
0x1fb: {  	v5 =	vsel vm6, $0x7, v5;
	v11 =	vmul.f32 v11, v11;
	v3 =	vsel vm14, $0x8, v3  }
0x1fc: {  	vm15 =	vlt.f32 v6, v1;
	v1 =	vmin.f32 v1, v6;
	v3 =	vsel vm13, $0x9, v3  }
0x1fd: {  	v8 =	vadd.f32 v62, v11;
	v3 =	vsel vm12, $0xA, v3;
	vm12 =	vlt.f32 v2, v1  }
0x1fe: {  	v1 =	vmin.f32 v1, v2;
	v2 =	vsel vm1, $0x8, v5;
	v5 =	vld [tilespmem:$0x1FD00];
	v7 =	vmul.f32 v7, v7;
	_ =	sdelay $0x1  }
0x1ff: {  	v6 =	vadd.f32 v7, v8;
	_ =	sdelay $0x1  }
0x200: {  	vm13 =	vlt.f32 v6, v1;
	v1 =	vmin.f32 v1, v6  }
0x201: {  	v3 =	vsel vm11, $0xB, v3;
	vm14 =	vlt.f32 v1, v5;
	v1 =	vmin.f32 v5, v1;
	v5 =	vld [tilespmem:$0x1FD20]  }
0x202: {  	v3 =	vsel vm10, $0xC, v3  }
0x203: {  	v3 =	vsel vm15, $0xD, v3  }
0x204: {  	v3 =	vsel vm12, $0xE, v3  }
0x205: {  	v3 =	vsel vm13, $0xF, v3  }
0x206: {  	v3 =	vsel vm14, v3, v5;
	v5 =	vld [tilespmem:$0x1FD10];
	_ =	sdelay $0x4  }
0x207: {  	v5 =	vsel vm14, s24, v5  }
0x208: {  	v2 =	vsel vm7, $0x9, v2;
	v5 =	vshll.u32 v5, $0x4  }
0x209: {  	v2 =	vsel vm2, $0xA, v2;
	[tilespmem:s22+$0x1B00] =	vst v1;
	v1 =	vadd.s32 v5, v3;
	v3 =	vld [tilespmem:$0x1FD30]  }
0x20a: {  	v10 =	vimm.s32 $0xE;
	v2 =	vsel vm3, $0xB, v2;
	v5 =	vld [tilespmem:$0x1FC70]  }
0x20b: {  	s21 =	sadd.s32 $0x1, s21;
	v11 =	vimm.s32 $0xF;
	v9 =	vimm.s32 $0xD;
	v2 =	vsel vm4, $0xC, v2  }
0x20c: {  	p0 =	sne.s32 s21, $0x8;
	vm15 =	vlt.f32 v0, v4;
	v0 =	vmin.f32 v4, v0;
	v2 =	vsel vm5, $0xD, v2  }
.Ltmp1:
0x20d: {  	v4 =	vimm.s32 $0x7;
	v8 =	vimm.s32 $0xA;
	v2 =	vsel vm8, $0xE, v2;
	(pc) =	sbr.rel @p0 .LBB2_2-.Ltmp1, $4  }
0x20e: {  	v7 =	vimm.s32 $0xC;
	v2 =	vsel vm9, $0xF, v2;
	v3 =	vsel vm15, s24, v3  }
0x20f: {  	v6 =	vimm.s32 $0x9;
	[tilespmem:s22+$0x1C00] =	vst v1;
	v2 =	vsel vm15, v2, v5;
	v1 =	vshll.u32 v3, $0x4  }
0x210: {  	[tilespmem:s23+$0x1B00] =	vst v0;
	v5 =	vimm.s32 $0xB;
	v3 =	vimm.s32 $0x6;
	v0 =	vadd.s32 v1, v2  }
0x211: {  	v1 =	vimm.s32 $0x4;
	v2 =	vimm.s32 $0x5;
	[tilespmem:s23+$0x1C00] =	vst v0;
	v0 =	vimm.s32 $0x2  }
0x212: {  	[hbm4b:s9+s2] =	stream.linear.scatter [tilespmem:s18], [sflag:$0x1], $0x100, $0x38;
	[tilespmem:$0x1D00] =	vst v63  }
0x213: {  	s20 =	sadd.s32 $0x1, s20;
	_ =	swait.ge [sflag:s12], $0x100  }
0x214: {  	p0 =	sne.s32 s20, s11;
	[sflag:s12] =	ssyncset.done $0x0  }
.Ltmp2:
0x215: {  	[sflag:s12] =	ssyncadd.s32 $0xFFFFFF00;
	(pc) =	sbr.rel @p0 .LBB2_1-.Ltmp2, $4  }
0x216: {  	[hbm4b:s10+s2] =	stream.linear.scatter [tilespmem:s19], [sflag:$0x1], $0x100, $0x38;
	[tilespmem:$0x1D00] =	vst v63  }
0x217: {  	_ =	swait.ge [sflag:s12], $0x100  }
0x218: {  	[sflag:s12] =	ssyncset.done $0x0  }
0x219: {  	[sflag:s12] =	ssyncadd.s32 $0xFFFFFF00  }
0x21a: {  	_ =	sfence.sel $0x180000  }
0x21b: {  	[bflag:$0x0] =	sbarrier.arrive $0xFFFF  }
0x21c: {  	p0 =	sne.s32 s0, $0x0;
	_ =	strace $0x90000047  }
0x21d: {  	s0 =	sadd.s32 @!p0 $0x100000, s1;
	[bflag:$0x2] =	sbarrier.arrive $0xFFFF  }
0x21e: {  	[sflag:s0] =	ssyncadd.tile.s32 @!p0 $0x1;
	_ =	shalt  }
.Lfunc_end2:
_tile_overlayer_lowered:
.L_overlay_start_2:
0x21f: {  	(tag) =	ssettag $0x2  }
0x220: {  	s0 =	rddreg [dreg:$0x0];
	s2 =	stileid.u32  }
0x221: {  	s1 =	rddreg [dreg:$0x1];
	p0 =	sne.s32 s2, $0x0  }
0x222: {  	s3 =	rddreg [dreg:$0x2];
	[bflag:$0x3] =	sbarrier.arrive $0xFFFF;
	s2 =	simm.s32 @!p0 $0x1C01  }
0x223: {  	[timem:s3], [sflag:s2] =	dma.local @!p0 [hbm:s0], s1  }
0x224: {  	s0 =	simm.s32 @!p0 $0x1  }
0x225: {  	_ =	swait.ge @!p0 [sflag:s0], s1  }
0x226: {  	s1 =	ssub.s32 @!p0 $0x0, s1;
	[sflag:s0] =	ssyncset.done @!p0 $0x0  }
0x227: {  	[sflag:s0] =	ssyncadd.s32 @!p0 s1  }
0x228: {  	[bflag:$0x3] =	sbarrier.arrive $0xFFFF  }
0x229: {  	_ =	shalt  }

</sc_bundles>
